<compile_context>
chip_gen: v7x
topology: tpu7x:2x2x1
jax: 0.10.2.dev20260603
libtpu: 0.0.44.dev20260713+nightly
codegen_flags: <defaults>
</compile_context>

<pallas_src>
import functools

import jax
import jax.numpy as jnp
from jax import lax
from jax.experimental import pallas as pl
from jax.experimental.pallas import tpu as pltpu
from jax.experimental.pallas import tpu_sc as plsc

N = 10000
E = 320000
D = 128
H = 128

NC = 2
NS = 16
NPAD = 10240
CH = 3200
NCHUNK = E // CH
NEG = float("-inf")


def _vperm(v, perm):
    return lax.gather(
        v, perm[:, None],
        lax.GatherDimensionNumbers(offset_dims=(), collapsed_slice_dims=(0,),
                                   start_index_map=(0,)),
        (1,), mode=lax.GatherScatterMode.PROMISE_IN_BOUNDS)


NEGPACK = -8323200
_BF = jnp.bfloat16
_I32 = jnp.int32


def _pmax(a, b):
    return plsc.bitcast(jnp.maximum(plsc.bitcast(a, _BF), plsc.bitcast(b, _BF)),
                        _I32)


def _scatter_max_body(edge_hbm, msgT_hbm, fwd_hbm, bwd_hbm,
                      accA, accB, idxb, mbuf):
    cid = lax.axis_index("c")
    sid = lax.axis_index("s")
    iota = lax.iota(jnp.int32, 16)
    quarter = iota >> 2
    fpl = (iota & 3) + 4 * (sid & 1)
    abase = (iota & 3) * NPAD
    rotq = [((quarter + k) & 3) for k in range(4)]
    C = [None, quarter >= 3, quarter >= 2, quarter >= 1]
    idx_off = (1 - cid) * E
    rowbase = (sid >> 1) * 8

    negv = jnp.full((16,), NEGPACK, _I32)

    def ia(i, _):
        for t in range(8):
            sl = pl.ds(i * 128 + t * 16, 16)
            accA[sl] = negv
            accB[sl] = negv
        return 0
    lax.fori_loop(0, (4 * NPAD) // 128, ia, 0)

    def chunk(ci, _):
        pltpu.sync_copy(edge_hbm.at[pl.ds(idx_off + ci * CH, CH)], idxb)
        pltpu.sync_copy(msgT_hbm.at[pl.ds(rowbase, 8), pl.ds(ci * CH, CH)],
                        mbuf)

        def grp(g, _):
            nodevec = idxb[pl.ds(g * 16, 16)]
            ebase = g * 16
            for qi in range(4):
                bank = accA if qi % 2 == 0 else accB
                nq = _vperm(nodevec, 4 * qi + rotq[0])
                e0 = ebase + 4 * qi
                mv = plsc.load_gather(mbuf, [fpl, quarter + e0])
                c = mv
                eqs = []
                rperm = [(rotq[k] * 4) + (iota & 3) for k in (1, 2, 3)]
                for k in (1, 2, 3):
                    nr = _vperm(nodevec, 4 * qi + rotq[k])
                    eq = nq == nr
                    eqs.append(eq)
                    rv = _vperm(mv, rperm[k - 1])
                    c = jnp.where(eq, _pmax(c, rv), c)
                dup = ((eqs[0] & C[1]) | (eqs[1] & C[2])) | (eqs[2] & C[3])
                wmask = jnp.logical_not(dup)
                aidx = abase + nq
                cur = plsc.load_gather(bank, [aidx])
                plsc.store_scatter(bank, [aidx], _pmax(cur, c), mask=wmask)
            return 0
        lax.fori_loop(0, CH // 16, grp, 0)
        return 0
    lax.fori_loop(0, NCHUNK, chunk, 0)

    def mrg(i, _):
        for t in range(8):
            sl = pl.ds(i * 128 + t * 16, 16)
            mx = _pmax(accA[sl], accB[sl])
            accA[sl] = jnp.where(mx == NEGPACK, 0, mx)
        return 0
    lax.fori_loop(0, (4 * NPAD) // 128, mrg, 0)

    @pl.when(cid == 0)
    def _():
        pltpu.sync_copy(accA, fwd_hbm.at[pl.ds(sid * (4 * NPAD), 4 * NPAD)])

    @pl.when(cid == 1)
    def _():
        pltpu.sync_copy(accA, bwd_hbm.at[pl.ds(sid * (4 * NPAD), 4 * NPAD)])


_scatter_max = functools.partial(
    pl.kernel,
    out_type=(jax.ShapeDtypeStruct((64 * NPAD,), jnp.int32),
              jax.ShapeDtypeStruct((64 * NPAD,), jnp.int32)),
    mesh=plsc.VectorSubcoreMesh(core_axis_name="c", subcore_axis_name="s"),
    scratch_types=[
        pltpu.VMEM((4 * NPAD,), jnp.int32),
        pltpu.VMEM((4 * NPAD,), jnp.int32),
        pltpu.VMEM((CH,), jnp.int32),
        pltpu.VMEM((8, CH), jnp.int32),
    ],
    compiler_params=pltpu.CompilerParams(needs_layout_passes=False),
)(_scatter_max_body)


BLK = 1000
GRID = N // BLK
EPS = 1e-5


def _stage1_body(x_ref, f_ref, b_ref, W1_ref, b1_ref, y_ref, ss_ref, sq_ref):
    i = pl.program_id(0)
    y = (jnp.dot(x_ref[...], W1_ref[0:D, :], preferred_element_type=jnp.float32)
         + jnp.dot(f_ref[...], W1_ref[D:D + H, :], preferred_element_type=jnp.float32)
         + jnp.dot(b_ref[...], W1_ref[D + H:, :], preferred_element_type=jnp.float32)
         + b1_ref[...])
    y_ref[...] = y

    @pl.when(i == 0)
    def _():
        ss_ref[...] = jnp.zeros_like(ss_ref)
        sq_ref[...] = jnp.zeros_like(sq_ref)
    ss_ref[...] += jnp.sum(y, axis=0, keepdims=True)
    sq_ref[...] += jnp.sum(y * y, axis=0, keepdims=True)


def _stage2_body(y_ref, ss_ref, sq_ref, g_ref, be_ref, W2_ref, b2_ref,
                 y2_ref, ss2_ref, sq2_ref):
    i = pl.program_id(0)
    mean = ss_ref[...] / N
    var = sq_ref[...] / N - mean * mean
    inv = lax.rsqrt(var + EPS)
    h1 = jax.nn.relu((y_ref[...] - mean) * inv * g_ref[...] + be_ref[...])
    y2 = jnp.dot(h1, W2_ref[...], preferred_element_type=jnp.float32) + b2_ref[...]
    y2_ref[...] = y2

    @pl.when(i == 0)
    def _():
        ss2_ref[...] = jnp.zeros_like(ss2_ref)
        sq2_ref[...] = jnp.zeros_like(sq2_ref)
    ss2_ref[...] += jnp.sum(y2, axis=0, keepdims=True)
    sq2_ref[...] += jnp.sum(y2 * y2, axis=0, keepdims=True)


def _stage3_body(y2_ref, ss2_ref, sq2_ref, g_ref, be_ref, wa_ref, ba_ref,
                 h_ref, att_ref):
    mean = ss2_ref[...] / N
    var = sq2_ref[...] / N - mean * mean
    inv = lax.rsqrt(var + EPS)
    h2 = jax.nn.relu((y2_ref[...] - mean) * inv * g_ref[...] + be_ref[...])
    h_ref[...] = h2
    logit = jnp.sum(h2 * wa_ref[...], axis=1, keepdims=True) + ba_ref[0, 0]
    att_ref[...] = jnp.broadcast_to(jax.nn.sigmoid(logit), (BLK, 8))


def _row_spec(shape):
    return pl.BlockSpec(shape, lambda i: (0, 0))


def _blk_spec(w):
    return pl.BlockSpec((BLK, w), lambda i: (i, 0))


def _mlp(x, fwd, bwd, W1, b1, gamma1, beta1, W2, b2, gamma2, beta2, Wa, ba):
    b1r = b1.reshape(1, H)
    g1r = gamma1.reshape(1, H)
    be1r = beta1.reshape(1, H)
    b2r = b2.reshape(1, H)
    g2r = gamma2.reshape(1, H)
    be2r = beta2.reshape(1, H)
    war = Wa.reshape(1, H)
    bar = jnp.broadcast_to(ba.reshape(1, 1), (1, H))

    y1, ss1, sq1 = pl.pallas_call(
        _stage1_body,
        grid=(GRID,),
        in_specs=[_blk_spec(D), _blk_spec(H), _blk_spec(H),
                  _row_spec((D + 2 * H, H)), _row_spec((1, H))],
        out_specs=[_blk_spec(H), _row_spec((1, H)), _row_spec((1, H))],
        out_shape=[jax.ShapeDtypeStruct((N, H), jnp.float32),
                   jax.ShapeDtypeStruct((1, H), jnp.float32),
                   jax.ShapeDtypeStruct((1, H), jnp.float32)],
    )(x, fwd, bwd, W1, b1r)

    y2, ss2, sq2 = pl.pallas_call(
        _stage2_body,
        grid=(GRID,),
        in_specs=[_blk_spec(H), _row_spec((1, H)), _row_spec((1, H)),
                  _row_spec((1, H)), _row_spec((1, H)),
                  _row_spec((H, H)), _row_spec((1, H))],
        out_specs=[_blk_spec(H), _row_spec((1, H)), _row_spec((1, H))],
        out_shape=[jax.ShapeDtypeStruct((N, H), jnp.float32),
                   jax.ShapeDtypeStruct((1, H), jnp.float32),
                   jax.ShapeDtypeStruct((1, H), jnp.float32)],
    )(y1, ss1, sq1, g1r, be1r, W2, b2r)

    h, att8 = pl.pallas_call(
        _stage3_body,
        grid=(GRID,),
        in_specs=[_blk_spec(H), _row_spec((1, H)), _row_spec((1, H)),
                  _row_spec((1, H)), _row_spec((1, H)),
                  _row_spec((1, H)), _row_spec((1, H))],
        out_specs=[_blk_spec(H), _blk_spec(8)],
        out_shape=[jax.ShapeDtypeStruct((N, H), jnp.float32),
                   jax.ShapeDtypeStruct((N, 8), jnp.float32)],
    )(y2, ss2, sq2, g2r, be2r, war, bar)

    return h, att8[:, 0]


def _unpack_agg(flat):
    r = lax.bitcast_convert_type(flat.reshape(64, NPAD), _BF)
    return r.transpose(1, 0, 2).reshape(NPAD, 128)[:N].astype(jnp.float32)


def kernel(x, edge_index, message, W1, b1, gamma1, beta1, W2, b2, gamma2, beta2, Wa, ba):
    edge_flat = edge_index.reshape(-1)
    msgP = lax.bitcast_convert_type(
        message.astype(_BF).reshape(E, 64, 2), _I32).T
    fwd_f, bwd_f = _scatter_max(edge_flat, msgP)
    fwd = _unpack_agg(fwd_f)
    bwd = _unpack_agg(bwd_f)
    return _mlp(x, fwd, bwd, W1, b1, gamma1, beta1, W2, b2,
                gamma2, beta2, Wa, ba)

# --- scband reference (transcript-rebuilt; emitter-appended) ---
"""Pipeline reference for scband-bmp-snnode-block-38809324487022 (READ-ONLY COPY).

The authoritative reference and input builder live on the scoring server;
editing this copy changes nothing except your own understanding.
"""

import jax, jax.numpy as jnp
import numpy as np

N = 10000
E = 320000
D = 128
H = 128

def setup_inputs(seed: int = 0) -> dict:
    key = jax.random.key(seed)
    ks = jax.random.split(key, 16)
    x = jax.random.normal(ks[0], (N, D), dtype=jnp.float32)
    edge_index = jax.random.randint(ks[1], (2, E), 0, N, dtype=jnp.int32)
    message = jax.random.normal(ks[2], (E, H), dtype=jnp.float32)
    W1 = jax.random.normal(ks[3], (D + 2 * H, H), dtype=jnp.float32) * 0.05
    b1 = jnp.zeros((H,), dtype=jnp.float32)
    gamma1 = jnp.ones((H,), dtype=jnp.float32)
    beta1 = jnp.zeros((H,), dtype=jnp.float32)
    W2 = jax.random.normal(ks[4], (H, H), dtype=jnp.float32) * 0.05
    b2 = jnp.zeros((H,), dtype=jnp.float32)
    gamma2 = jnp.ones((H,), dtype=jnp.float32)
    beta2 = jnp.zeros((H,), dtype=jnp.float32)
    Wa = jax.random.normal(ks[5], (H, 1), dtype=jnp.float32) * 0.05
    ba = jnp.zeros((1,), dtype=jnp.float32)
    return {"x": x, "edge_index": edge_index, "message": message,
            "W1": W1, "b1": b1, "gamma1": gamma1, "beta1": beta1,
            "W2": W2, "b2": b2, "gamma2": gamma2, "beta2": beta2,
            "Wa": Wa, "ba": ba}

def _batchnorm(x, gamma, beta, eps=1e-5):
    mean = jnp.mean(x, axis=0)
    var = jnp.var(x, axis=0)
    return (x - mean) / jnp.sqrt(var + eps) * gamma + beta

def _scatter_max_zero(vals, idx, n):
    seg = jax.ops.segment_max(vals, idx, num_segments=n)
    cnt = jnp.zeros((n,), dtype=vals.dtype).at[idx].add(1.0)
    return jnp.where(cnt[:, None] > 0, seg, jnp.zeros_like(seg))

def reference(x, edge_index, message, W1, b1, gamma1, beta1, W2, b2, gamma2, beta2, Wa, ba):
    row = edge_index[0]
    col = edge_index[1]
    n = x.shape[0]
    fwd_agg = _scatter_max_zero(message, col, n)
    bwd_agg = _scatter_max_zero(message, row, n)
    out = jnp.concatenate([x, fwd_agg, bwd_agg], axis=1)
    h = out @ W1 + b1
    h = _batchnorm(h, gamma1, beta1)
    h = jax.nn.relu(h)
    # dropout is identity in deterministic reference
    h = h @ W2 + b2
    h = _batchnorm(h, gamma2, beta2)
    h = jax.nn.relu(h)
    att = jax.nn.sigmoid(h @ Wa + ba).reshape(-1)
    return (h, att)

if __name__ == "__main__":
    import jax
    _d = setup_inputs()
    print(jax.jit(kernel)(*tuple(_d.values())))

</pallas_src>

<mosaic_0001>
#map = affine_map<(d0, d1) -> (0)>
#map1 = affine_map<(d0, d1) -> (0, 0)>
module attributes {stable_mosaic.version = 14 : i64} {
  func.func @_scatter_max_body(%arg0: i32, %arg1: i32, %arg2: memref<640000xi32, #tpu.memory_space<hbm>>, %arg3: memref<64x320000xi32, #tpu.memory_space<hbm>>, %arg4: memref<655360xi32, #tpu.memory_space<hbm>>, %arg5: memref<655360xi32, #tpu.memory_space<hbm>>, %arg6: memref<40960xi32, #tpu.memory_space<vmem>>, %arg7: memref<40960xi32, #tpu.memory_space<vmem>>, %arg8: memref<3200xi32, #tpu.memory_space<vmem>>, %arg9: memref<8x3200xi32, #tpu.memory_space<vmem>>) attributes {dimension_semantics = [#tpu.dimension_semantics<core_parallel>, #tpu.dimension_semantics<subcore_parallel>], iteration_bounds = array<i64: 2, 16>, scalar_prefetch = 0 : i64, scratch_operands = 4 : i64, tpu.core_type = #tpu.core_type<sc_vector_subcore>, window_params = [{transform_indices = #map}, {transform_indices = #map1}, {transform_indices = #map}, {transform_indices = #map}]} {
    %iota3A = tpu.iota {dimensions = array<i32: 0>} : vector<16xi32>
    %shift_right_arithmetic3A = arith.constant 2 : i32
    %shift_right_arithmetic3A_0 = vector.broadcast %shift_right_arithmetic3A : i32 to vector<16xi32>
    %shift_right_arithmetic3A_1 = arith.shrsi %iota3A, %shift_right_arithmetic3A_0 : vector<16xi32>
    %and3A = arith.constant 3 : i32
    %and3A_2 = vector.broadcast %and3A : i32 to vector<16xi32>
    %and3A_3 = arith.andi %iota3A, %and3A_2 : vector<16xi32>
    %and3A_4 = arith.constant 1 : i32
    %and3A_5 = arith.andi %arg1, %and3A_4 : i32
    %mul3A = arith.constant 4 : i32
    %mul3A_6 = arith.muli %mul3A, %and3A_5 : i32
    %add3A = vector.broadcast %mul3A_6 : i32 to vector<16xi32>
    %add3A_7 = arith.addi %and3A_3, %add3A : vector<16xi32>
    %and3A_8 = arith.constant 3 : i32
    %and3A_9 = vector.broadcast %and3A_8 : i32 to vector<16xi32>
    %and3A_10 = arith.andi %iota3A, %and3A_9 : vector<16xi32>
    %mul3A_11 = arith.constant 10240 : i32
    %mul3A_12 = vector.broadcast %mul3A_11 : i32 to vector<16xi32>
    %mul3A_13 = arith.muli %and3A_10, %mul3A_12 : vector<16xi32>
    %add3A_14 = arith.constant 0 : i32
    %add3A_15 = vector.broadcast %add3A_14 : i32 to vector<16xi32>
    %add3A_16 = arith.addi %shift_right_arithmetic3A_1, %add3A_15 : vector<16xi32>
    %and3A_17 = arith.constant 3 : i32
    %and3A_18 = vector.broadcast %and3A_17 : i32 to vector<16xi32>
    %and3A_19 = arith.andi %add3A_16, %and3A_18 : vector<16xi32>
    %add3A_20 = arith.constant 1 : i32
    %add3A_21 = vector.broadcast %add3A_20 : i32 to vector<16xi32>
    %add3A_22 = arith.addi %shift_right_arithmetic3A_1, %add3A_21 : vector<16xi32>
    %and3A_23 = arith.constant 3 : i32
    %and3A_24 = vector.broadcast %and3A_23 : i32 to vector<16xi32>
    %and3A_25 = arith.andi %add3A_22, %and3A_24 : vector<16xi32>
    %add3A_26 = arith.constant 2 : i32
    %add3A_27 = vector.broadcast %add3A_26 : i32 to vector<16xi32>
    %add3A_28 = arith.addi %shift_right_arithmetic3A_1, %add3A_27 : vector<16xi32>
    %and3A_29 = arith.constant 3 : i32
    %and3A_30 = vector.broadcast %and3A_29 : i32 to vector<16xi32>
    %and3A_31 = arith.andi %add3A_28, %and3A_30 : vector<16xi32>
    %add3A_32 = arith.constant 3 : i32
    %add3A_33 = vector.broadcast %add3A_32 : i32 to vector<16xi32>
    %add3A_34 = arith.addi %shift_right_arithmetic3A_1, %add3A_33 : vector<16xi32>
    %and3A_35 = arith.constant 3 : i32
    %and3A_36 = vector.broadcast %and3A_35 : i32 to vector<16xi32>
    %and3A_37 = arith.andi %add3A_34, %and3A_36 : vector<16xi32>
    %ge3A = arith.constant 3 : i32
    %ge3A_38 = vector.broadcast %ge3A : i32 to vector<16xi32>
    %ge3A_39 = arith.cmpi sge, %shift_right_arithmetic3A_1, %ge3A_38 : vector<16xi32>
    %ge3A_40 = arith.constant 2 : i32
    %ge3A_41 = vector.broadcast %ge3A_40 : i32 to vector<16xi32>
    %ge3A_42 = arith.cmpi sge, %shift_right_arithmetic3A_1, %ge3A_41 : vector<16xi32>
    %ge3A_43 = arith.constant 1 : i32
    %ge3A_44 = vector.broadcast %ge3A_43 : i32 to vector<16xi32>
    %ge3A_45 = arith.cmpi sge, %shift_right_arithmetic3A_1, %ge3A_44 : vector<16xi32>
    %sub3A = arith.constant 1 : i32
    %sub3A_46 = arith.subi %sub3A, %arg0 : i32
    %mul3A_47 = arith.constant 320000 : i32
    %mul3A_48 = arith.muli %sub3A_46, %mul3A_47 : i32
    %shift_right_arithmetic3A_49 = arith.constant 1 : i32
    %shift_right_arithmetic3A_50 = arith.shrsi %arg1, %shift_right_arithmetic3A_49 : i32
    %mul3A_51 = arith.constant 8 : i32
    %mul3A_52 = arith.muli %shift_right_arithmetic3A_50, %mul3A_51 : i32
    %broadcast_in_dim3A = arith.constant -8323200 : i32
    %broadcast_in_dim3A_53 = vector.broadcast %broadcast_in_dim3A : i32 to vector<16xi32>
    %scan3A = arith.constant 0 : i32
    %scan3A_54 = arith.constant 0 : i32
    %scan3A_55 = arith.constant 320 : i32
    %scan3A_56 = arith.addi %scan3A_54, %scan3A_55 : i32
    %scan3A_57 = arith.constant 1 : i32
    %scan3A_58 = scf.for %scan3A_81 = %scan3A_54 to %scan3A_56 step %scan3A_57 iter_args(%scan3A_82 = %scan3A) -> (i32)  : i32 {
      %mul3A_83 = arith.constant 128 : i32
      %mul3A_84 = arith.muli %scan3A_81, %mul3A_83 : i32
      %add3A_85 = arith.constant 0 : i32
      %add3A_86 = arith.addi %mul3A_84, %add3A_85 : i32
      %swap3A = arith.index_cast %add3A_86 : i32 to index
      %swap3A_87 = tpu.vector_load %arg6[%swap3A] {strides = array<i32>} : memref<40960xi32, #tpu.memory_space<vmem>>, vector<16xi32>,
      tpu.vector_store %arg6[%swap3A], %broadcast_in_dim3A_53 {strides = array<i32>} : memref<40960xi32, #tpu.memory_space<vmem>>, vector<16xi32>,
      %swap3A_88 = arith.index_cast %add3A_86 : i32 to index
      %swap3A_89 = tpu.vector_load %arg7[%swap3A_88] {strides = array<i32>} : memref<40960xi32, #tpu.memory_space<vmem>>, vector<16xi32>,
      tpu.vector_store %arg7[%swap3A_88], %broadcast_in_dim3A_53 {strides = array<i32>} : memref<40960xi32, #tpu.memory_space<vmem>>, vector<16xi32>,
      %mul3A_90 = arith.constant 128 : i32
      %mul3A_91 = arith.muli %scan3A_81, %mul3A_90 : i32
      %add3A_92 = arith.constant 16 : i32
      %add3A_93 = arith.addi %mul3A_91, %add3A_92 : i32
      %swap3A_94 = arith.index_cast %add3A_93 : i32 to index
      %swap3A_95 = tpu.vector_load %arg6[%swap3A_94] {strides = array<i32>} : memref<40960xi32, #tpu.memory_space<vmem>>, vector<16xi32>,
      tpu.vector_store %arg6[%swap3A_94], %broadcast_in_dim3A_53 {strides = array<i32>} : memref<40960xi32, #tpu.memory_space<vmem>>, vector<16xi32>,
      %swap3A_96 = arith.index_cast %add3A_93 : i32 to index
      %swap3A_97 = tpu.vector_load %arg7[%swap3A_96] {strides = array<i32>} : memref<40960xi32, #tpu.memory_space<vmem>>, vector<16xi32>,
      tpu.vector_store %arg7[%swap3A_96], %broadcast_in_dim3A_53 {strides = array<i32>} : memref<40960xi32, #tpu.memory_space<vmem>>, vector<16xi32>,
      %mul3A_98 = arith.constant 128 : i32
      %mul3A_99 = arith.muli %scan3A_81, %mul3A_98 : i32
      %add3A_100 = arith.constant 32 : i32
      %add3A_101 = arith.addi %mul3A_99, %add3A_100 : i32
      %swap3A_102 = arith.index_cast %add3A_101 : i32 to index
      %swap3A_103 = tpu.vector_load %arg6[%swap3A_102] {strides = array<i32>} : memref<40960xi32, #tpu.memory_space<vmem>>, vector<16xi32>,
      tpu.vector_store %arg6[%swap3A_102], %broadcast_in_dim3A_53 {strides = array<i32>} : memref<40960xi32, #tpu.memory_space<vmem>>, vector<16xi32>,
      %swap3A_104 = arith.index_cast %add3A_101 : i32 to index
      %swap3A_105 = tpu.vector_load %arg7[%swap3A_104] {strides = array<i32>} : memref<40960xi32, #tpu.memory_space<vmem>>, vector<16xi32>,
      tpu.vector_store %arg7[%swap3A_104], %broadcast_in_dim3A_53 {strides = array<i32>} : memref<40960xi32, #tpu.memory_space<vmem>>, vector<16xi32>,
      %mul3A_106 = arith.constant 128 : i32
      %mul3A_107 = arith.muli %scan3A_81, %mul3A_106 : i32
      %add3A_108 = arith.constant 48 : i32
      %add3A_109 = arith.addi %mul3A_107, %add3A_108 : i32
      %swap3A_110 = arith.index_cast %add3A_109 : i32 to index
      %swap3A_111 = tpu.vector_load %arg6[%swap3A_110] {strides = array<i32>} : memref<40960xi32, #tpu.memory_space<vmem>>, vector<16xi32>,
      tpu.vector_store %arg6[%swap3A_110], %broadcast_in_dim3A_53 {strides = array<i32>} : memref<40960xi32, #tpu.memory_space<vmem>>, vector<16xi32>,
      %swap3A_112 = arith.index_cast %add3A_109 : i32 to index
      %swap3A_113 = tpu.vector_load %arg7[%swap3A_112] {strides = array<i32>} : memref<40960xi32, #tpu.memory_space<vmem>>, vector<16xi32>,
      tpu.vector_store %arg7[%swap3A_112], %broadcast_in_dim3A_53 {strides = array<i32>} : memref<40960xi32, #tpu.memory_space<vmem>>, vector<16xi32>,
      %mul3A_114 = arith.constant 128 : i32
      %mul3A_115 = arith.muli %scan3A_81, %mul3A_114 : i32
      %add3A_116 = arith.constant 64 : i32
      %add3A_117 = arith.addi %mul3A_115, %add3A_116 : i32
      %swap3A_118 = arith.index_cast %add3A_117 : i32 to index
      %swap3A_119 = tpu.vector_load %arg6[%swap3A_118] {strides = array<i32>} : memref<40960xi32, #tpu.memory_space<vmem>>, vector<16xi32>,
      tpu.vector_store %arg6[%swap3A_118], %broadcast_in_dim3A_53 {strides = array<i32>} : memref<40960xi32, #tpu.memory_space<vmem>>, vector<16xi32>,
      %swap3A_120 = arith.index_cast %add3A_117 : i32 to index
      %swap3A_121 = tpu.vector_load %arg7[%swap3A_120] {strides = array<i32>} : memref<40960xi32, #tpu.memory_space<vmem>>, vector<16xi32>,
      tpu.vector_store %arg7[%swap3A_120], %broadcast_in_dim3A_53 {strides = array<i32>} : memref<40960xi32, #tpu.memory_space<vmem>>, vector<16xi32>,
      %mul3A_122 = arith.constant 128 : i32
      %mul3A_123 = arith.muli %scan3A_81, %mul3A_122 : i32
      %add3A_124 = arith.constant 80 : i32
      %add3A_125 = arith.addi %mul3A_123, %add3A_124 : i32
      %swap3A_126 = arith.index_cast %add3A_125 : i32 to index
      %swap3A_127 = tpu.vector_load %arg6[%swap3A_126] {strides = array<i32>} : memref<40960xi32, #tpu.memory_space<vmem>>, vector<16xi32>,
      tpu.vector_store %arg6[%swap3A_126], %broadcast_in_dim3A_53 {strides = array<i32>} : memref<40960xi32, #tpu.memory_space<vmem>>, vector<16xi32>,
      %swap3A_128 = arith.index_cast %add3A_125 : i32 to index
      %swap3A_129 = tpu.vector_load %arg7[%swap3A_128] {strides = array<i32>} : memref<40960xi32, #tpu.memory_space<vmem>>, vector<16xi32>,
      tpu.vector_store %arg7[%swap3A_128], %broadcast_in_dim3A_53 {strides = array<i32>} : memref<40960xi32, #tpu.memory_space<vmem>>, vector<16xi32>,
      %mul3A_130 = arith.constant 128 : i32
      %mul3A_131 = arith.muli %scan3A_81, %mul3A_130 : i32
      %add3A_132 = arith.constant 96 : i32
      %add3A_133 = arith.addi %mul3A_131, %add3A_132 : i32
      %swap3A_134 = arith.index_cast %add3A_133 : i32 to index
      %swap3A_135 = tpu.vector_load %arg6[%swap3A_134] {strides = array<i32>} : memref<40960xi32, #tpu.memory_space<vmem>>, vector<16xi32>,
      tpu.vector_store %arg6[%swap3A_134], %broadcast_in_dim3A_53 {strides = array<i32>} : memref<40960xi32, #tpu.memory_space<vmem>>, vector<16xi32>,
      %swap3A_136 = arith.index_cast %add3A_133 : i32 to index
      %swap3A_137 = tpu.vector_load %arg7[%swap3A_136] {strides = array<i32>} : memref<40960xi32, #tpu.memory_space<vmem>>, vector<16xi32>,
      tpu.vector_store %arg7[%swap3A_136], %broadcast_in_dim3A_53 {strides = array<i32>} : memref<40960xi32, #tpu.memory_space<vmem>>, vector<16xi32>,
      %mul3A_138 = arith.constant 128 : i32
      %mul3A_139 = arith.muli %scan3A_81, %mul3A_138 : i32
      %add3A_140 = arith.constant 112 : i32
      %add3A_141 = arith.addi %mul3A_139, %add3A_140 : i32
      %swap3A_142 = arith.index_cast %add3A_141 : i32 to index
      %swap3A_143 = tpu.vector_load %arg6[%swap3A_142] {strides = array<i32>} : memref<40960xi32, #tpu.memory_space<vmem>>, vector<16xi32>,
      tpu.vector_store %arg6[%swap3A_142], %broadcast_in_dim3A_53 {strides = array<i32>} : memref<40960xi32, #tpu.memory_space<vmem>>, vector<16xi32>,
      %swap3A_144 = arith.index_cast %add3A_141 : i32 to index
      %swap3A_145 = tpu.vector_load %arg7[%swap3A_144] {strides = array<i32>} : memref<40960xi32, #tpu.memory_space<vmem>>, vector<16xi32>,
      tpu.vector_store %arg7[%swap3A_144], %broadcast_in_dim3A_53 {strides = array<i32>} : memref<40960xi32, #tpu.memory_space<vmem>>, vector<16xi32>,
      %scan3A_146 = arith.constant 0 : i32
      scf.yield %scan3A_146 : i32
    }
    %scan3A_59 = arith.constant 320 : i32
    %scan3A_60 = arith.constant 0 : i32
    %scan3A_61 = arith.constant 0 : i32
    %scan3A_62 = arith.constant 100 : i32
    %scan3A_63 = arith.addi %scan3A_61, %scan3A_62 : i32
    %scan3A_64 = arith.constant 1 : i32
    %scan3A_65 = scf.for %scan3A_81 = %scan3A_61 to %scan3A_63 step %scan3A_64 iter_args(%scan3A_82 = %scan3A_60) -> (i32)  : i32 {
      %mul3A_83 = arith.constant 3200 : i32
      %mul3A_84 = arith.muli %scan3A_81, %mul3A_83 : i32
      %add3A_85 = arith.addi %mul3A_48, %mul3A_84 : i32
      "tpu.region"() ({
        %run_scoped3A = tpu.sem_alloc : memref<!tpu.dma_semaphore, #tpu.memory_space<semaphore_mem>>
        %dma_start3A = tpu.memref_slice %arg2[%add3A_85] : memref<640000xi32, #tpu.memory_space<hbm>> -> memref<3200xi32, #tpu.memory_space<hbm>>
        %dma_start3A_96 = tpu.memref_slice %arg2[%add3A_85] : memref<640000xi32, #tpu.memory_space<hbm>> -> memref<3200xi32, #tpu.memory_space<hbm>>
        tpu.enqueue_dma source(%dma_start3A_96 : memref<3200xi32, #tpu.memory_space<hbm>>) target(%arg8 : memref<3200xi32, #tpu.memory_space<vmem>>) target_semaphore(%run_scoped3A : memref<!tpu.dma_semaphore, #tpu.memory_space<semaphore_mem>>)
        %dma_wait3A = tpu.memref_slice %arg2[%add3A_85] : memref<640000xi32, #tpu.memory_space<hbm>> -> memref<3200xi32, #tpu.memory_space<hbm>>
        %dma_wait3A_97 = tpu.memref_slice %arg2[%add3A_85] : memref<640000xi32, #tpu.memory_space<hbm>> -> memref<3200xi32, #tpu.memory_space<hbm>>
        tpu.wait_dma2 semaphore(%run_scoped3A : memref<!tpu.dma_semaphore, #tpu.memory_space<semaphore_mem>>) src(%dma_wait3A_97 : memref<3200xi32, #tpu.memory_space<hbm>>) dst(%arg8 : memref<3200xi32, #tpu.memory_space<vmem>>)
        tpu.yield
      }) : () -> ()
      %mul3A_86 = arith.constant 3200 : i32
      %mul3A_87 = arith.muli %scan3A_81, %mul3A_86 : i32
      "tpu.region"() ({
        %run_scoped3A = tpu.sem_alloc : memref<!tpu.dma_semaphore, #tpu.memory_space<semaphore_mem>>
        %dma_start3A = tpu.memref_slice %arg3[%mul3A_52, %mul3A_87] : memref<64x320000xi32, #tpu.memory_space<hbm>> -> memref<8x3200xi32, #tpu.memory_space<hbm>>
        %dma_start3A_96 = tpu.memref_slice %arg3[%mul3A_52, %mul3A_87] : memref<64x320000xi32, #tpu.memory_space<hbm>> -> memref<8x3200xi32, #tpu.memory_space<hbm>>
        tpu.enqueue_dma source(%dma_start3A_96 : memref<8x3200xi32, #tpu.memory_space<hbm>>) target(%arg9 : memref<8x3200xi32, #tpu.memory_space<vmem>>) target_semaphore(%run_scoped3A : memref<!tpu.dma_semaphore, #tpu.memory_space<semaphore_mem>>)
        %dma_wait3A = tpu.memref_slice %arg3[%mul3A_52, %mul3A_87] : memref<64x320000xi32, #tpu.memory_space<hbm>> -> memref<8x3200xi32, #tpu.memory_space<hbm>>
        %dma_wait3A_97 = tpu.memref_slice %arg3[%mul3A_52, %mul3A_87] : memref<64x320000xi32, #tpu.memory_space<hbm>> -> memref<8x3200xi32, #tpu.memory_space<hbm>>
        tpu.wait_dma2 semaphore(%run_scoped3A : memref<!tpu.dma_semaphore, #tpu.memory_space<semaphore_mem>>) src(%dma_wait3A_97 : memref<8x3200xi32, #tpu.memory_space<hbm>>) dst(%arg9 : memref<8x3200xi32, #tpu.memory_space<vmem>>)
        tpu.yield
      }) : () -> ()
      %scan3A_88 = arith.constant 0 : i32
      %scan3A_89 = arith.constant 0 : i32
      %scan3A_90 = arith.constant 200 : i32
      %scan3A_91 = arith.addi %scan3A_89, %scan3A_90 : i32
      %scan3A_92 = arith.constant 1 : i32
      %scan3A_93 = scf.for %scan3A_96 = %scan3A_89 to %scan3A_91 step %scan3A_92 iter_args(%scan3A_97 = %scan3A_88) -> (i32)  : i32 {
        %mul3A_98 = arith.constant 16 : i32
        %mul3A_99 = arith.muli %scan3A_96, %mul3A_98 : i32
        %get3A = arith.index_cast %mul3A_99 : i32 to index
        %get3A_100 = tpu.vector_load %arg8[%get3A] {strides = array<i32>} : memref<3200xi32, #tpu.memory_space<vmem>>, vector<16xi32>,
        %mul3A_101 = arith.constant 16 : i32
        %mul3A_102 = arith.muli %scan3A_96, %mul3A_101 : i32
        %add3A_103 = arith.constant 0 : i32
        %add3A_104 = vector.broadcast %add3A_103 : i32 to vector<16xi32>
        %add3A_105 = arith.addi %add3A_104, %and3A_19 : vector<16xi32>
        %broadcast_in_dim3A_106 = vector.shape_cast %add3A_105 : vector<16xi32> to vector<16x1xi32>
        %gather3A = vector.shape_cast %broadcast_in_dim3A_106 : vector<16x1xi32> to vector<16xi32>
        %gather3A_107 = tpu.dynamic_gather %get3A_100[%gather3A] in [0] : vector<16xi32>, vector<16xi32> -> vector<16xi32>
        %add3A_108 = arith.constant 0 : i32
        %add3A_109 = arith.addi %mul3A_102, %add3A_108 : i32
        %add3A_110 = vector.broadcast %add3A_109 : i32 to vector<16xi32>
        %add3A_111 = arith.addi %shift_right_arithmetic3A_1, %add3A_110 : vector<16xi32>
        %gather3A_112 = tpu.vector_load_idx %arg9[%add3A_7, %add3A_111] : memref<8x3200xi32, #tpu.memory_space<vmem>>[vector<16xi32>, vector<16xi32>], vector<16xi32>,
        %mul3A_113 = arith.constant 4 : i32
        %mul3A_114 = vector.broadcast %mul3A_113 : i32 to vector<16xi32>
        %mul3A_115 = arith.muli %and3A_25, %mul3A_114 : vector<16xi32>
        %and3A_116 = arith.constant 3 : i32
        %and3A_117 = vector.broadcast %and3A_116 : i32 to vector<16xi32>
        %and3A_118 = arith.andi %iota3A, %and3A_117 : vector<16xi32>
        %add3A_119 = arith.addi %mul3A_115, %and3A_118 : vector<16xi32>
        %mul3A_120 = arith.constant 4 : i32
        %mul3A_121 = vector.broadcast %mul3A_120 : i32 to vector<16xi32>
        %mul3A_122 = arith.muli %and3A_31, %mul3A_121 : vector<16xi32>
        %and3A_123 = arith.constant 3 : i32
        %and3A_124 = vector.broadcast %and3A_123 : i32 to vector<16xi32>
        %and3A_125 = arith.andi %iota3A, %and3A_124 : vector<16xi32>
        %add3A_126 = arith.addi %mul3A_122, %and3A_125 : vector<16xi32>
        %mul3A_127 = arith.constant 4 : i32
        %mul3A_128 = vector.broadcast %mul3A_127 : i32 to vector<16xi32>
        %mul3A_129 = arith.muli %and3A_37, %mul3A_128 : vector<16xi32>
        %and3A_130 = arith.constant 3 : i32
        %and3A_131 = vector.broadcast %and3A_130 : i32 to vector<16xi32>
        %and3A_132 = arith.andi %iota3A, %and3A_131 : vector<16xi32>
        %add3A_133 = arith.addi %mul3A_129, %and3A_132 : vector<16xi32>
        %add3A_134 = arith.constant 0 : i32
        %add3A_135 = vector.broadcast %add3A_134 : i32 to vector<16xi32>
        %add3A_136 = arith.addi %add3A_135, %and3A_25 : vector<16xi32>
        %broadcast_in_dim3A_137 = vector.shape_cast %add3A_136 : vector<16xi32> to vector<16x1xi32>
        %gather3A_138 = vector.shape_cast %broadcast_in_dim3A_137 : vector<16x1xi32> to vector<16xi32>
        %gather3A_139 = tpu.dynamic_gather %get3A_100[%gather3A_138] in [0] : vector<16xi32>, vector<16xi32> -> vector<16xi32>
        %eq3A_140 = arith.cmpi eq, %gather3A_107, %gather3A_139 : vector<16xi32>
        %broadcast_in_dim3A_141 = vector.shape_cast %add3A_119 : vector<16xi32> to vector<16x1xi32>
        %gather3A_142 = vector.shape_cast %broadcast_in_dim3A_141 : vector<16x1xi32> to vector<16xi32>
        %gather3A_143 = tpu.dynamic_gather %gather3A_112[%gather3A_142] in [0] : vector<16xi32>, vector<16xi32> -> vector<16xi32>
        %bitcast3A = vector.bitcast %gather3A_112 : vector<16xi32> to vector<32xbf16>
        %bitcast3A_144 = vector.bitcast %gather3A_143 : vector<16xi32> to vector<32xbf16>
        %max3A = arith.maximumf %bitcast3A, %bitcast3A_144 : vector<32xbf16>
        %bitcast3A_145 = vector.bitcast %max3A : vector<32xbf16> to vector<16xi32>
        %select_n3A = arith.select %eq3A_140, %bitcast3A_145, %gather3A_112 : vector<16xi1>, vector<16xi32>
        %add3A_146 = arith.constant 0 : i32
        %add3A_147 = vector.broadcast %add3A_146 : i32 to vector<16xi32>
        %add3A_148 = arith.addi %add3A_147, %and3A_31 : vector<16xi32>
        %broadcast_in_dim3A_149 = vector.shape_cast %add3A_148 : vector<16xi32> to vector<16x1xi32>
        %gather3A_150 = vector.shape_cast %broadcast_in_dim3A_149 : vector<16x1xi32> to vector<16xi32>
        %gather3A_151 = tpu.dynamic_gather %get3A_100[%gather3A_150] in [0] : vector<16xi32>, vector<16xi32> -> vector<16xi32>
        %eq3A_152 = arith.cmpi eq, %gather3A_107, %gather3A_151 : vector<16xi32>
        %broadcast_in_dim3A_153 = vector.shape_cast %add3A_126 : vector<16xi32> to vector<16x1xi32>
        %gather3A_154 = vector.shape_cast %broadcast_in_dim3A_153 : vector<16x1xi32> to vector<16xi32>
        %gather3A_155 = tpu.dynamic_gather %gather3A_112[%gather3A_154] in [0] : vector<16xi32>, vector<16xi32> -> vector<16xi32>
        %bitcast3A_156 = vector.bitcast %select_n3A : vector<16xi32> to vector<32xbf16>
        %bitcast3A_157 = vector.bitcast %gather3A_155 : vector<16xi32> to vector<32xbf16>
        %max3A_158 = arith.maximumf %bitcast3A_156, %bitcast3A_157 : vector<32xbf16>
        %bitcast3A_159 = vector.bitcast %max3A_158 : vector<32xbf16> to vector<16xi32>
        %select_n3A_160 = arith.select %eq3A_152, %bitcast3A_159, %select_n3A : vector<16xi1>, vector<16xi32>
        %add3A_161 = arith.constant 0 : i32
        %add3A_162 = vector.broadcast %add3A_161 : i32 to vector<16xi32>
        %add3A_163 = arith.addi %add3A_162, %and3A_37 : vector<16xi32>
        %broadcast_in_dim3A_164 = vector.shape_cast %add3A_163 : vector<16xi32> to vector<16x1xi32>
        %gather3A_165 = vector.shape_cast %broadcast_in_dim3A_164 : vector<16x1xi32> to vector<16xi32>
        %gather3A_166 = tpu.dynamic_gather %get3A_100[%gather3A_165] in [0] : vector<16xi32>, vector<16xi32> -> vector<16xi32>
        %eq3A_167 = arith.cmpi eq, %gather3A_107, %gather3A_166 : vector<16xi32>
        %broadcast_in_dim3A_168 = vector.shape_cast %add3A_133 : vector<16xi32> to vector<16x1xi32>
        %gather3A_169 = vector.shape_cast %broadcast_in_dim3A_168 : vector<16x1xi32> to vector<16xi32>
        %gather3A_170 = tpu.dynamic_gather %gather3A_112[%gather3A_169] in [0] : vector<16xi32>, vector<16xi32> -> vector<16xi32>
        %bitcast3A_171 = vector.bitcast %select_n3A_160 : vector<16xi32> to vector<32xbf16>
        %bitcast3A_172 = vector.bitcast %gather3A_170 : vector<16xi32> to vector<32xbf16>
        %max3A_173 = arith.maximumf %bitcast3A_171, %bitcast3A_172 : vector<32xbf16>
        %bitcast3A_174 = vector.bitcast %max3A_173 : vector<32xbf16> to vector<16xi32>
        %select_n3A_175 = arith.select %eq3A_167, %bitcast3A_174, %select_n3A_160 : vector<16xi1>, vector<16xi32>
        %and3A_176 = arith.andi %eq3A_140, %ge3A_39 : vector<16xi1>
        %and3A_177 = arith.andi %eq3A_152, %ge3A_42 : vector<16xi1>
        %or3A = arith.ori %and3A_176, %and3A_177 : vector<16xi1>
        %and3A_178 = arith.andi %eq3A_167, %ge3A_45 : vector<16xi1>
        %or3A_179 = arith.ori %or3A, %and3A_178 : vector<16xi1>
        %not3A = arith.constant dense<true> : vector<16xi1>
        %not3A_180 = arith.xori %or3A_179, %not3A : vector<16xi1>
        %add3A_181 = arith.addi %mul3A_13, %gather3A_107 : vector<16xi32>
        %gather3A_182 = tpu.vector_load_idx %arg6[%add3A_181] : memref<40960xi32, #tpu.memory_space<vmem>>[vector<16xi32>], vector<16xi32>,
        %bitcast3A_183 = vector.bitcast %gather3A_182 : vector<16xi32> to vector<32xbf16>
        %bitcast3A_184 = vector.bitcast %select_n3A_175 : vector<16xi32> to vector<32xbf16>
        %max3A_185 = arith.maximumf %bitcast3A_183, %bitcast3A_184 : vector<32xbf16>
        %bitcast3A_186 = vector.bitcast %max3A_185 : vector<32xbf16> to vector<16xi32>
        tpu.vector_store_idx %arg6[%add3A_181], %bitcast3A_186 masked %not3A_180 : memref<40960xi32, #tpu.memory_space<vmem>>[vector<16xi32>], vector<16xi32>, vector<16xi1>
        %add3A_187 = arith.constant 4 : i32
        %add3A_188 = vector.broadcast %add3A_187 : i32 to vector<16xi32>
        %add3A_189 = arith.addi %add3A_188, %and3A_19 : vector<16xi32>
        %broadcast_in_dim3A_190 = vector.shape_cast %add3A_189 : vector<16xi32> to vector<16x1xi32>
        %gather3A_191 = vector.shape_cast %broadcast_in_dim3A_190 : vector<16x1xi32> to vector<16xi32>
        %gather3A_192 = tpu.dynamic_gather %get3A_100[%gather3A_191] in [0] : vector<16xi32>, vector<16xi32> -> vector<16xi32>
        %add3A_193 = arith.constant 4 : i32
        %add3A_194 = arith.addi %mul3A_102, %add3A_193 : i32
        %add3A_195 = vector.broadcast %add3A_194 : i32 to vector<16xi32>
        %add3A_196 = arith.addi %shift_right_arithmetic3A_1, %add3A_195 : vector<16xi32>
        %gather3A_197 = tpu.vector_load_idx %arg9[%add3A_7, %add3A_196] : memref<8x3200xi32, #tpu.memory_space<vmem>>[vector<16xi32>, vector<16xi32>], vector<16xi32>,
        %mul3A_198 = arith.constant 4 : i32
        %mul3A_199 = vector.broadcast %mul3A_198 : i32 to vector<16xi32>
        %mul3A_200 = arith.muli %and3A_25, %mul3A_199 : vector<16xi32>
        %and3A_201 = arith.constant 3 : i32
        %and3A_202 = vector.broadcast %and3A_201 : i32 to vector<16xi32>
        %and3A_203 = arith.andi %iota3A, %and3A_202 : vector<16xi32>
        %add3A_204 = arith.addi %mul3A_200, %and3A_203 : vector<16xi32>
        %mul3A_205 = arith.constant 4 : i32
        %mul3A_206 = vector.broadcast %mul3A_205 : i32 to vector<16xi32>
        %mul3A_207 = arith.muli %and3A_31, %mul3A_206 : vector<16xi32>
        %and3A_208 = arith.constant 3 : i32
        %and3A_209 = vector.broadcast %and3A_208 : i32 to vector<16xi32>
        %and3A_210 = arith.andi %iota3A, %and3A_209 : vector<16xi32>
        %add3A_211 = arith.addi %mul3A_207, %and3A_210 : vector<16xi32>
        %mul3A_212 = arith.constant 4 : i32
        %mul3A_213 = vector.broadcast %mul3A_212 : i32 to vector<16xi32>
        %mul3A_214 = arith.muli %and3A_37, %mul3A_213 : vector<16xi32>
        %and3A_215 = arith.constant 3 : i32
        %and3A_216 = vector.broadcast %and3A_215 : i32 to vector<16xi32>
        %and3A_217 = arith.andi %iota3A, %and3A_216 : vector<16xi32>
        %add3A_218 = arith.addi %mul3A_214, %and3A_217 : vector<16xi32>
        %add3A_219 = arith.constant 4 : i32
        %add3A_220 = vector.broadcast %add3A_219 : i32 to vector<16xi32>
        %add3A_221 = arith.addi %add3A_220, %and3A_25 : vector<16xi32>
        %broadcast_in_dim3A_222 = vector.shape_cast %add3A_221 : vector<16xi32> to vector<16x1xi32>
        %gather3A_223 = vector.shape_cast %broadcast_in_dim3A_222 : vector<16x1xi32> to vector<16xi32>
        %gather3A_224 = tpu.dynamic_gather %get3A_100[%gather3A_223] in [0] : vector<16xi32>, vector<16xi32> -> vector<16xi32>
        %eq3A_225 = arith.cmpi eq, %gather3A_192, %gather3A_224 : vector<16xi32>
        %broadcast_in_dim3A_226 = vector.shape_cast %add3A_204 : vector<16xi32> to vector<16x1xi32>
        %gather3A_227 = vector.shape_cast %broadcast_in_dim3A_226 : vector<16x1xi32> to vector<16xi32>
        %gather3A_228 = tpu.dynamic_gather %gather3A_197[%gather3A_227] in [0] : vector<16xi32>, vector<16xi32> -> vector<16xi32>
        %bitcast3A_229 = vector.bitcast %gather3A_197 : vector<16xi32> to vector<32xbf16>
        %bitcast3A_230 = vector.bitcast %gather3A_228 : vector<16xi32> to vector<32xbf16>
        %max3A_231 = arith.maximumf %bitcast3A_229, %bitcast3A_230 : vector<32xbf16>
        %bitcast3A_232 = vector.bitcast %max3A_231 : vector<32xbf16> to vector<16xi32>
        %select_n3A_233 = arith.select %eq3A_225, %bitcast3A_232, %gather3A_197 : vector<16xi1>, vector<16xi32>
        %add3A_234 = arith.constant 4 : i32
        %add3A_235 = vector.broadcast %add3A_234 : i32 to vector<16xi32>
        %add3A_236 = arith.addi %add3A_235, %and3A_31 : vector<16xi32>
        %broadcast_in_dim3A_237 = vector.shape_cast %add3A_236 : vector<16xi32> to vector<16x1xi32>
        %gather3A_238 = vector.shape_cast %broadcast_in_dim3A_237 : vector<16x1xi32> to vector<16xi32>
        %gather3A_239 = tpu.dynamic_gather %get3A_100[%gather3A_238] in [0] : vector<16xi32>, vector<16xi32> -> vector<16xi32>
        %eq3A_240 = arith.cmpi eq, %gather3A_192, %gather3A_239 : vector<16xi32>
        %broadcast_in_dim3A_241 = vector.shape_cast %add3A_211 : vector<16xi32> to vector<16x1xi32>
        %gather3A_242 = vector.shape_cast %broadcast_in_dim3A_241 : vector<16x1xi32> to vector<16xi32>
        %gather3A_243 = tpu.dynamic_gather %gather3A_197[%gather3A_242] in [0] : vector<16xi32>, vector<16xi32> -> vector<16xi32>
        %bitcast3A_244 = vector.bitcast %select_n3A_233 : vector<16xi32> to vector<32xbf16>
        %bitcast3A_245 = vector.bitcast %gather3A_243 : vector<16xi32> to vector<32xbf16>
        %max3A_246 = arith.maximumf %bitcast3A_244, %bitcast3A_245 : vector<32xbf16>
        %bitcast3A_247 = vector.bitcast %max3A_246 : vector<32xbf16> to vector<16xi32>
        %select_n3A_248 = arith.select %eq3A_240, %bitcast3A_247, %select_n3A_233 : vector<16xi1>, vector<16xi32>
        %add3A_249 = arith.constant 4 : i32
        %add3A_250 = vector.broadcast %add3A_249 : i32 to vector<16xi32>
        %add3A_251 = arith.addi %add3A_250, %and3A_37 : vector<16xi32>
        %broadcast_in_dim3A_252 = vector.shape_cast %add3A_251 : vector<16xi32> to vector<16x1xi32>
        %gather3A_253 = vector.shape_cast %broadcast_in_dim3A_252 : vector<16x1xi32> to vector<16xi32>
        %gather3A_254 = tpu.dynamic_gather %get3A_100[%gather3A_253] in [0] : vector<16xi32>, vector<16xi32> -> vector<16xi32>
        %eq3A_255 = arith.cmpi eq, %gather3A_192, %gather3A_254 : vector<16xi32>
        %broadcast_in_dim3A_256 = vector.shape_cast %add3A_218 : vector<16xi32> to vector<16x1xi32>
        %gather3A_257 = vector.shape_cast %broadcast_in_dim3A_256 : vector<16x1xi32> to vector<16xi32>
        %gather3A_258 = tpu.dynamic_gather %gather3A_197[%gather3A_257] in [0] : vector<16xi32>, vector<16xi32> -> vector<16xi32>
        %bitcast3A_259 = vector.bitcast %select_n3A_248 : vector<16xi32> to vector<32xbf16>
        %bitcast3A_260 = vector.bitcast %gather3A_258 : vector<16xi32> to vector<32xbf16>
        %max3A_261 = arith.maximumf %bitcast3A_259, %bitcast3A_260 : vector<32xbf16>
        %bitcast3A_262 = vector.bitcast %max3A_261 : vector<32xbf16> to vector<16xi32>
        %select_n3A_263 = arith.select %eq3A_255, %bitcast3A_262, %select_n3A_248 : vector<16xi1>, vector<16xi32>
        %and3A_264 = arith.andi %eq3A_225, %ge3A_39 : vector<16xi1>
        %and3A_265 = arith.andi %eq3A_240, %ge3A_42 : vector<16xi1>
        %or3A_266 = arith.ori %and3A_264, %and3A_265 : vector<16xi1>
        %and3A_267 = arith.andi %eq3A_255, %ge3A_45 : vector<16xi1>
        %or3A_268 = arith.ori %or3A_266, %and3A_267 : vector<16xi1>
        %not3A_269 = arith.constant dense<true> : vector<16xi1>
        %not3A_270 = arith.xori %or3A_268, %not3A_269 : vector<16xi1>
        %add3A_271 = arith.addi %mul3A_13, %gather3A_192 : vector<16xi32>
        %gather3A_272 = tpu.vector_load_idx %arg7[%add3A_271] : memref<40960xi32, #tpu.memory_space<vmem>>[vector<16xi32>], vector<16xi32>,
        %bitcast3A_273 = vector.bitcast %gather3A_272 : vector<16xi32> to vector<32xbf16>
        %bitcast3A_274 = vector.bitcast %select_n3A_263 : vector<16xi32> to vector<32xbf16>
        %max3A_275 = arith.maximumf %bitcast3A_273, %bitcast3A_274 : vector<32xbf16>
        %bitcast3A_276 = vector.bitcast %max3A_275 : vector<32xbf16> to vector<16xi32>
        tpu.vector_store_idx %arg7[%add3A_271], %bitcast3A_276 masked %not3A_270 : memref<40960xi32, #tpu.memory_space<vmem>>[vector<16xi32>], vector<16xi32>, vector<16xi1>
        %add3A_277 = arith.constant 8 : i32
        %add3A_278 = vector.broadcast %add3A_277 : i32 to vector<16xi32>
        %add3A_279 = arith.addi %add3A_278, %and3A_19 : vector<16xi32>
        %broadcast_in_dim3A_280 = vector.shape_cast %add3A_279 : vector<16xi32> to vector<16x1xi32>
        %gather3A_281 = vector.shape_cast %broadcast_in_dim3A_280 : vector<16x1xi32> to vector<16xi32>
        %gather3A_282 = tpu.dynamic_gather %get3A_100[%gather3A_281] in [0] : vector<16xi32>, vector<16xi32> -> vector<16xi32>
        %add3A_283 = arith.constant 8 : i32
        %add3A_284 = arith.addi %mul3A_102, %add3A_283 : i32
        %add3A_285 = vector.broadcast %add3A_284 : i32 to vector<16xi32>
        %add3A_286 = arith.addi %shift_right_arithmetic3A_1, %add3A_285 : vector<16xi32>
        %gather3A_287 = tpu.vector_load_idx %arg9[%add3A_7, %add3A_286] : memref<8x3200xi32, #tpu.memory_space<vmem>>[vector<16xi32>, vector<16xi32>], vector<16xi32>,
        %mul3A_288 = arith.constant 4 : i32
        %mul3A_289 = vector.broadcast %mul3A_288 : i32 to vector<16xi32>
        %mul3A_290 = arith.muli %and3A_25, %mul3A_289 : vector<16xi32>
        %and3A_291 = arith.constant 3 : i32
        %and3A_292 = vector.broadcast %and3A_291 : i32 to vector<16xi32>
        %and3A_293 = arith.andi %iota3A, %and3A_292 : vector<16xi32>
        %add3A_294 = arith.addi %mul3A_290, %and3A_293 : vector<16xi32>
        %mul3A_295 = arith.constant 4 : i32
        %mul3A_296 = vector.broadcast %mul3A_295 : i32 to vector<16xi32>
        %mul3A_297 = arith.muli %and3A_31, %mul3A_296 : vector<16xi32>
        %and3A_298 = arith.constant 3 : i32
        %and3A_299 = vector.broadcast %and3A_298 : i32 to vector<16xi32>
        %and3A_300 = arith.andi %iota3A, %and3A_299 : vector<16xi32>
        %add3A_301 = arith.addi %mul3A_297, %and3A_300 : vector<16xi32>
        %mul3A_302 = arith.constant 4 : i32
        %mul3A_303 = vector.broadcast %mul3A_302 : i32 to vector<16xi32>
        %mul3A_304 = arith.muli %and3A_37, %mul3A_303 : vector<16xi32>
        %and3A_305 = arith.constant 3 : i32
        %and3A_306 = vector.broadcast %and3A_305 : i32 to vector<16xi32>
        %and3A_307 = arith.andi %iota3A, %and3A_306 : vector<16xi32>
        %add3A_308 = arith.addi %mul3A_304, %and3A_307 : vector<16xi32>
        %add3A_309 = arith.constant 8 : i32
        %add3A_310 = vector.broadcast %add3A_309 : i32 to vector<16xi32>
        %add3A_311 = arith.addi %add3A_310, %and3A_25 : vector<16xi32>
        %broadcast_in_dim3A_312 = vector.shape_cast %add3A_311 : vector<16xi32> to vector<16x1xi32>
        %gather3A_313 = vector.shape_cast %broadcast_in_dim3A_312 : vector<16x1xi32> to vector<16xi32>
        %gather3A_314 = tpu.dynamic_gather %get3A_100[%gather3A_313] in [0] : vector<16xi32>, vector<16xi32> -> vector<16xi32>
        %eq3A_315 = arith.cmpi eq, %gather3A_282, %gather3A_314 : vector<16xi32>
        %broadcast_in_dim3A_316 = vector.shape_cast %add3A_294 : vector<16xi32> to vector<16x1xi32>
        %gather3A_317 = vector.shape_cast %broadcast_in_dim3A_316 : vector<16x1xi32> to vector<16xi32>
        %gather3A_318 = tpu.dynamic_gather %gather3A_287[%gather3A_317] in [0] : vector<16xi32>, vector<16xi32> -> vector<16xi32>
        %bitcast3A_319 = vector.bitcast %gather3A_287 : vector<16xi32> to vector<32xbf16>
        %bitcast3A_320 = vector.bitcast %gather3A_318 : vector<16xi32> to vector<32xbf16>
        %max3A_321 = arith.maximumf %bitcast3A_319, %bitcast3A_320 : vector<32xbf16>
        %bitcast3A_322 = vector.bitcast %max3A_321 : vector<32xbf16> to vector<16xi32>
        %select_n3A_323 = arith.select %eq3A_315, %bitcast3A_322, %gather3A_287 : vector<16xi1>, vector<16xi32>
        %add3A_324 = arith.constant 8 : i32
        %add3A_325 = vector.broadcast %add3A_324 : i32 to vector<16xi32>
        %add3A_326 = arith.addi %add3A_325, %and3A_31 : vector<16xi32>
        %broadcast_in_dim3A_327 = vector.shape_cast %add3A_326 : vector<16xi32> to vector<16x1xi32>
        %gather3A_328 = vector.shape_cast %broadcast_in_dim3A_327 : vector<16x1xi32> to vector<16xi32>
        %gather3A_329 = tpu.dynamic_gather %get3A_100[%gather3A_328] in [0] : vector<16xi32>, vector<16xi32> -> vector<16xi32>
        %eq3A_330 = arith.cmpi eq, %gather3A_282, %gather3A_329 : vector<16xi32>
        %broadcast_in_dim3A_331 = vector.shape_cast %add3A_301 : vector<16xi32> to vector<16x1xi32>
        %gather3A_332 = vector.shape_cast %broadcast_in_dim3A_331 : vector<16x1xi32> to vector<16xi32>
        %gather3A_333 = tpu.dynamic_gather %gather3A_287[%gather3A_332] in [0] : vector<16xi32>, vector<16xi32> -> vector<16xi32>
        %bitcast3A_334 = vector.bitcast %select_n3A_323 : vector<16xi32> to vector<32xbf16>
        %bitcast3A_335 = vector.bitcast %gather3A_333 : vector<16xi32> to vector<32xbf16>
        %max3A_336 = arith.maximumf %bitcast3A_334, %bitcast3A_335 : vector<32xbf16>
        %bitcast3A_337 = vector.bitcast %max3A_336 : vector<32xbf16> to vector<16xi32>
        %select_n3A_338 = arith.select %eq3A_330, %bitcast3A_337, %select_n3A_323 : vector<16xi1>, vector<16xi32>
        %add3A_339 = arith.constant 8 : i32
        %add3A_340 = vector.broadcast %add3A_339 : i32 to vector<16xi32>
        %add3A_341 = arith.addi %add3A_340, %and3A_37 : vector<16xi32>
        %broadcast_in_dim3A_342 = vector.shape_cast %add3A_341 : vector<16xi32> to vector<16x1xi32>
        %gather3A_343 = vector.shape_cast %broadcast_in_dim3A_342 : vector<16x1xi32> to vector<16xi32>
        %gather3A_344 = tpu.dynamic_gather %get3A_100[%gather3A_343] in [0] : vector<16xi32>, vector<16xi32> -> vector<16xi32>
        %eq3A_345 = arith.cmpi eq, %gather3A_282, %gather3A_344 : vector<16xi32>
        %broadcast_in_dim3A_346 = vector.shape_cast %add3A_308 : vector<16xi32> to vector<16x1xi32>
        %gather3A_347 = vector.shape_cast %broadcast_in_dim3A_346 : vector<16x1xi32> to vector<16xi32>
        %gather3A_348 = tpu.dynamic_gather %gather3A_287[%gather3A_347] in [0] : vector<16xi32>, vector<16xi32> -> vector<16xi32>
        %bitcast3A_349 = vector.bitcast %select_n3A_338 : vector<16xi32> to vector<32xbf16>
        %bitcast3A_350 = vector.bitcast %gather3A_348 : vector<16xi32> to vector<32xbf16>
        %max3A_351 = arith.maximumf %bitcast3A_349, %bitcast3A_350 : vector<32xbf16>
        %bitcast3A_352 = vector.bitcast %max3A_351 : vector<32xbf16> to vector<16xi32>
        %select_n3A_353 = arith.select %eq3A_345, %bitcast3A_352, %select_n3A_338 : vector<16xi1>, vector<16xi32>
        %and3A_354 = arith.andi %eq3A_315, %ge3A_39 : vector<16xi1>
        %and3A_355 = arith.andi %eq3A_330, %ge3A_42 : vector<16xi1>
        %or3A_356 = arith.ori %and3A_354, %and3A_355 : vector<16xi1>
        %and3A_357 = arith.andi %eq3A_345, %ge3A_45 : vector<16xi1>
        %or3A_358 = arith.ori %or3A_356, %and3A_357 : vector<16xi1>
        %not3A_359 = arith.constant dense<true> : vector<16xi1>
        %not3A_360 = arith.xori %or3A_358, %not3A_359 : vector<16xi1>
        %add3A_361 = arith.addi %mul3A_13, %gather3A_282 : vector<16xi32>
        %gather3A_362 = tpu.vector_load_idx %arg6[%add3A_361] : memref<40960xi32, #tpu.memory_space<vmem>>[vector<16xi32>], vector<16xi32>,
        %bitcast3A_363 = vector.bitcast %gather3A_362 : vector<16xi32> to vector<32xbf16>
        %bitcast3A_364 = vector.bitcast %select_n3A_353 : vector<16xi32> to vector<32xbf16>
        %max3A_365 = arith.maximumf %bitcast3A_363, %bitcast3A_364 : vector<32xbf16>
        %bitcast3A_366 = vector.bitcast %max3A_365 : vector<32xbf16> to vector<16xi32>
        tpu.vector_store_idx %arg6[%add3A_361], %bitcast3A_366 masked %not3A_360 : memref<40960xi32, #tpu.memory_space<vmem>>[vector<16xi32>], vector<16xi32>, vector<16xi1>
        %add3A_367 = arith.constant 12 : i32
        %add3A_368 = vector.broadcast %add3A_367 : i32 to vector<16xi32>
        %add3A_369 = arith.addi %add3A_368, %and3A_19 : vector<16xi32>
        %broadcast_in_dim3A_370 = vector.shape_cast %add3A_369 : vector<16xi32> to vector<16x1xi32>
        %gather3A_371 = vector.shape_cast %broadcast_in_dim3A_370 : vector<16x1xi32> to vector<16xi32>
        %gather3A_372 = tpu.dynamic_gather %get3A_100[%gather3A_371] in [0] : vector<16xi32>, vector<16xi32> -> vector<16xi32>
        %add3A_373 = arith.constant 12 : i32
        %add3A_374 = arith.addi %mul3A_102, %add3A_373 : i32
        %add3A_375 = vector.broadcast %add3A_374 : i32 to vector<16xi32>
        %add3A_376 = arith.addi %shift_right_arithmetic3A_1, %add3A_375 : vector<16xi32>
        %gather3A_377 = tpu.vector_load_idx %arg9[%add3A_7, %add3A_376] : memref<8x3200xi32, #tpu.memory_space<vmem>>[vector<16xi32>, vector<16xi32>], vector<16xi32>,
        %mul3A_378 = arith.constant 4 : i32
        %mul3A_379 = vector.broadcast %mul3A_378 : i32 to vector<16xi32>
        %mul3A_380 = arith.muli %and3A_25, %mul3A_379 : vector<16xi32>
        %and3A_381 = arith.constant 3 : i32
        %and3A_382 = vector.broadcast %and3A_381 : i32 to vector<16xi32>
        %and3A_383 = arith.andi %iota3A, %and3A_382 : vector<16xi32>
        %add3A_384 = arith.addi %mul3A_380, %and3A_383 : vector<16xi32>
        %mul3A_385 = arith.constant 4 : i32
        %mul3A_386 = vector.broadcast %mul3A_385 : i32 to vector<16xi32>
        %mul3A_387 = arith.muli %and3A_31, %mul3A_386 : vector<16xi32>
        %and3A_388 = arith.constant 3 : i32
        %and3A_389 = vector.broadcast %and3A_388 : i32 to vector<16xi32>
        %and3A_390 = arith.andi %iota3A, %and3A_389 : vector<16xi32>
        %add3A_391 = arith.addi %mul3A_387, %and3A_390 : vector<16xi32>
        %mul3A_392 = arith.constant 4 : i32
        %mul3A_393 = vector.broadcast %mul3A_392 : i32 to vector<16xi32>
        %mul3A_394 = arith.muli %and3A_37, %mul3A_393 : vector<16xi32>
        %and3A_395 = arith.constant 3 : i32
        %and3A_396 = vector.broadcast %and3A_395 : i32 to vector<16xi32>
        %and3A_397 = arith.andi %iota3A, %and3A_396 : vector<16xi32>
        %add3A_398 = arith.addi %mul3A_394, %and3A_397 : vector<16xi32>
        %add3A_399 = arith.constant 12 : i32
        %add3A_400 = vector.broadcast %add3A_399 : i32 to vector<16xi32>
        %add3A_401 = arith.addi %add3A_400, %and3A_25 : vector<16xi32>
        %broadcast_in_dim3A_402 = vector.shape_cast %add3A_401 : vector<16xi32> to vector<16x1xi32>
        %gather3A_403 = vector.shape_cast %broadcast_in_dim3A_402 : vector<16x1xi32> to vector<16xi32>
        %gather3A_404 = tpu.dynamic_gather %get3A_100[%gather3A_403] in [0] : vector<16xi32>, vector<16xi32> -> vector<16xi32>
        %eq3A_405 = arith.cmpi eq, %gather3A_372, %gather3A_404 : vector<16xi32>
        %broadcast_in_dim3A_406 = vector.shape_cast %add3A_384 : vector<16xi32> to vector<16x1xi32>
        %gather3A_407 = vector.shape_cast %broadcast_in_dim3A_406 : vector<16x1xi32> to vector<16xi32>
        %gather3A_408 = tpu.dynamic_gather %gather3A_377[%gather3A_407] in [0] : vector<16xi32>, vector<16xi32> -> vector<16xi32>
        %bitcast3A_409 = vector.bitcast %gather3A_377 : vector<16xi32> to vector<32xbf16>
        %bitcast3A_410 = vector.bitcast %gather3A_408 : vector<16xi32> to vector<32xbf16>
        %max3A_411 = arith.maximumf %bitcast3A_409, %bitcast3A_410 : vector<32xbf16>
        %bitcast3A_412 = vector.bitcast %max3A_411 : vector<32xbf16> to vector<16xi32>
        %select_n3A_413 = arith.select %eq3A_405, %bitcast3A_412, %gather3A_377 : vector<16xi1>, vector<16xi32>
        %add3A_414 = arith.constant 12 : i32
        %add3A_415 = vector.broadcast %add3A_414 : i32 to vector<16xi32>
        %add3A_416 = arith.addi %add3A_415, %and3A_31 : vector<16xi32>
        %broadcast_in_dim3A_417 = vector.shape_cast %add3A_416 : vector<16xi32> to vector<16x1xi32>
        %gather3A_418 = vector.shape_cast %broadcast_in_dim3A_417 : vector<16x1xi32> to vector<16xi32>
        %gather3A_419 = tpu.dynamic_gather %get3A_100[%gather3A_418] in [0] : vector<16xi32>, vector<16xi32> -> vector<16xi32>
        %eq3A_420 = arith.cmpi eq, %gather3A_372, %gather3A_419 : vector<16xi32>
        %broadcast_in_dim3A_421 = vector.shape_cast %add3A_391 : vector<16xi32> to vector<16x1xi32>
        %gather3A_422 = vector.shape_cast %broadcast_in_dim3A_421 : vector<16x1xi32> to vector<16xi32>
        %gather3A_423 = tpu.dynamic_gather %gather3A_377[%gather3A_422] in [0] : vector<16xi32>, vector<16xi32> -> vector<16xi32>
        %bitcast3A_424 = vector.bitcast %select_n3A_413 : vector<16xi32> to vector<32xbf16>
        %bitcast3A_425 = vector.bitcast %gather3A_423 : vector<16xi32> to vector<32xbf16>
        %max3A_426 = arith.maximumf %bitcast3A_424, %bitcast3A_425 : vector<32xbf16>
        %bitcast3A_427 = vector.bitcast %max3A_426 : vector<32xbf16> to vector<16xi32>
        %select_n3A_428 = arith.select %eq3A_420, %bitcast3A_427, %select_n3A_413 : vector<16xi1>, vector<16xi32>
        %add3A_429 = arith.constant 12 : i32
        %add3A_430 = vector.broadcast %add3A_429 : i32 to vector<16xi32>
        %add3A_431 = arith.addi %add3A_430, %and3A_37 : vector<16xi32>
        %broadcast_in_dim3A_432 = vector.shape_cast %add3A_431 : vector<16xi32> to vector<16x1xi32>
        %gather3A_433 = vector.shape_cast %broadcast_in_dim3A_432 : vector<16x1xi32> to vector<16xi32>
        %gather3A_434 = tpu.dynamic_gather %get3A_100[%gather3A_433] in [0] : vector<16xi32>, vector<16xi32> -> vector<16xi32>
        %eq3A_435 = arith.cmpi eq, %gather3A_372, %gather3A_434 : vector<16xi32>
        %broadcast_in_dim3A_436 = vector.shape_cast %add3A_398 : vector<16xi32> to vector<16x1xi32>
        %gather3A_437 = vector.shape_cast %broadcast_in_dim3A_436 : vector<16x1xi32> to vector<16xi32>
        %gather3A_438 = tpu.dynamic_gather %gather3A_377[%gather3A_437] in [0] : vector<16xi32>, vector<16xi32> -> vector<16xi32>
        %bitcast3A_439 = vector.bitcast %select_n3A_428 : vector<16xi32> to vector<32xbf16>
        %bitcast3A_440 = vector.bitcast %gather3A_438 : vector<16xi32> to vector<32xbf16>
        %max3A_441 = arith.maximumf %bitcast3A_439, %bitcast3A_440 : vector<32xbf16>
        %bitcast3A_442 = vector.bitcast %max3A_441 : vector<32xbf16> to vector<16xi32>
        %select_n3A_443 = arith.select %eq3A_435, %bitcast3A_442, %select_n3A_428 : vector<16xi1>, vector<16xi32>
        %and3A_444 = arith.andi %eq3A_405, %ge3A_39 : vector<16xi1>
        %and3A_445 = arith.andi %eq3A_420, %ge3A_42 : vector<16xi1>
        %or3A_446 = arith.ori %and3A_444, %and3A_445 : vector<16xi1>
        %and3A_447 = arith.andi %eq3A_435, %ge3A_45 : vector<16xi1>
        %or3A_448 = arith.ori %or3A_446, %and3A_447 : vector<16xi1>
        %not3A_449 = arith.constant dense<true> : vector<16xi1>
        %not3A_450 = arith.xori %or3A_448, %not3A_449 : vector<16xi1>
        %add3A_451 = arith.addi %mul3A_13, %gather3A_372 : vector<16xi32>
        %gather3A_452 = tpu.vector_load_idx %arg7[%add3A_451] : memref<40960xi32, #tpu.memory_space<vmem>>[vector<16xi32>], vector<16xi32>,
        %bitcast3A_453 = vector.bitcast %gather3A_452 : vector<16xi32> to vector<32xbf16>
        %bitcast3A_454 = vector.bitcast %select_n3A_443 : vector<16xi32> to vector<32xbf16>
        %max3A_455 = arith.maximumf %bitcast3A_453, %bitcast3A_454 : vector<32xbf16>
        %bitcast3A_456 = vector.bitcast %max3A_455 : vector<32xbf16> to vector<16xi32>
        tpu.vector_store_idx %arg7[%add3A_451], %bitcast3A_456 masked %not3A_450 : memref<40960xi32, #tpu.memory_space<vmem>>[vector<16xi32>], vector<16xi32>, vector<16xi1>
        %scan3A_457 = arith.constant 0 : i32
        scf.yield %scan3A_457 : i32
      }
      %scan3A_94 = arith.constant 200 : i32
      %scan3A_95 = arith.constant 0 : i32
      scf.yield %scan3A_95 : i32
    }
    %scan3A_66 = arith.constant 100 : i32
    %scan3A_67 = arith.constant 0 : i32
    %scan3A_68 = arith.constant 0 : i32
    %scan3A_69 = arith.constant 320 : i32
    %scan3A_70 = arith.addi %scan3A_68, %scan3A_69 : i32
    %scan3A_71 = arith.constant 1 : i32
    %scan3A_72 = scf.for %scan3A_81 = %scan3A_68 to %scan3A_70 step %scan3A_71 iter_args(%scan3A_82 = %scan3A_67) -> (i32)  : i32 {
      %mul3A_83 = arith.constant 128 : i32
      %mul3A_84 = arith.muli %scan3A_81, %mul3A_83 : i32
      %add3A_85 = arith.constant 0 : i32
      %add3A_86 = arith.addi %mul3A_84, %add3A_85 : i32
      %get3A = arith.index_cast %add3A_86 : i32 to index
      %get3A_87 = tpu.vector_load %arg6[%get3A] {strides = array<i32>} : memref<40960xi32, #tpu.memory_space<vmem>>, vector<16xi32>,
      %get3A_88 = arith.index_cast %add3A_86 : i32 to index
      %get3A_89 = tpu.vector_load %arg7[%get3A_88] {strides = array<i32>} : memref<40960xi32, #tpu.memory_space<vmem>>, vector<16xi32>,
      %bitcast3A = vector.bitcast %get3A_87 : vector<16xi32> to vector<32xbf16>
      %bitcast3A_90 = vector.bitcast %get3A_89 : vector<16xi32> to vector<32xbf16>
      %max3A = arith.maximumf %bitcast3A, %bitcast3A_90 : vector<32xbf16>
      %bitcast3A_91 = vector.bitcast %max3A : vector<32xbf16> to vector<16xi32>
      %eq3A_92 = arith.constant -8323200 : i32
      %eq3A_93 = vector.broadcast %eq3A_92 : i32 to vector<16xi32>
      %eq3A_94 = arith.cmpi eq, %bitcast3A_91, %eq3A_93 : vector<16xi32>
      %jit3A = arith.constant 0 : i32
      %broadcast_in_dim3A_95 = vector.broadcast %jit3A : i32 to vector<16xi32>
      %select_n3A = arith.select %eq3A_94, %broadcast_in_dim3A_95, %bitcast3A_91 : vector<16xi1>, vector<16xi32>
      %swap3A = arith.index_cast %add3A_86 : i32 to index
      %swap3A_96 = tpu.vector_load %arg6[%swap3A] {strides = array<i32>} : memref<40960xi32, #tpu.memory_space<vmem>>, vector<16xi32>,
      tpu.vector_store %arg6[%swap3A], %select_n3A {strides = array<i32>} : memref<40960xi32, #tpu.memory_space<vmem>>, vector<16xi32>,
      %mul3A_97 = arith.constant 128 : i32
      %mul3A_98 = arith.muli %scan3A_81, %mul3A_97 : i32
      %add3A_99 = arith.constant 16 : i32
      %add3A_100 = arith.addi %mul3A_98, %add3A_99 : i32
      %get3A_101 = arith.index_cast %add3A_100 : i32 to index
      %get3A_102 = tpu.vector_load %arg6[%get3A_101] {strides = array<i32>} : memref<40960xi32, #tpu.memory_space<vmem>>, vector<16xi32>,
      %get3A_103 = arith.index_cast %add3A_100 : i32 to index
      %get3A_104 = tpu.vector_load %arg7[%get3A_103] {strides = array<i32>} : memref<40960xi32, #tpu.memory_space<vmem>>, vector<16xi32>,
      %bitcast3A_105 = vector.bitcast %get3A_102 : vector<16xi32> to vector<32xbf16>
      %bitcast3A_106 = vector.bitcast %get3A_104 : vector<16xi32> to vector<32xbf16>
      %max3A_107 = arith.maximumf %bitcast3A_105, %bitcast3A_106 : vector<32xbf16>
      %bitcast3A_108 = vector.bitcast %max3A_107 : vector<32xbf16> to vector<16xi32>
      %eq3A_109 = arith.constant -8323200 : i32
      %eq3A_110 = vector.broadcast %eq3A_109 : i32 to vector<16xi32>
      %eq3A_111 = arith.cmpi eq, %bitcast3A_108, %eq3A_110 : vector<16xi32>
      %jit3A_112 = arith.constant 0 : i32
      %broadcast_in_dim3A_113 = vector.broadcast %jit3A_112 : i32 to vector<16xi32>
      %select_n3A_114 = arith.select %eq3A_111, %broadcast_in_dim3A_113, %bitcast3A_108 : vector<16xi1>, vector<16xi32>
      %swap3A_115 = arith.index_cast %add3A_100 : i32 to index
      %swap3A_116 = tpu.vector_load %arg6[%swap3A_115] {strides = array<i32>} : memref<40960xi32, #tpu.memory_space<vmem>>, vector<16xi32>,
      tpu.vector_store %arg6[%swap3A_115], %select_n3A_114 {strides = array<i32>} : memref<40960xi32, #tpu.memory_space<vmem>>, vector<16xi32>,
      %mul3A_117 = arith.constant 128 : i32
      %mul3A_118 = arith.muli %scan3A_81, %mul3A_117 : i32
      %add3A_119 = arith.constant 32 : i32
      %add3A_120 = arith.addi %mul3A_118, %add3A_119 : i32
      %get3A_121 = arith.index_cast %add3A_120 : i32 to index
      %get3A_122 = tpu.vector_load %arg6[%get3A_121] {strides = array<i32>} : memref<40960xi32, #tpu.memory_space<vmem>>, vector<16xi32>,
      %get3A_123 = arith.index_cast %add3A_120 : i32 to index
      %get3A_124 = tpu.vector_load %arg7[%get3A_123] {strides = array<i32>} : memref<40960xi32, #tpu.memory_space<vmem>>, vector<16xi32>,
      %bitcast3A_125 = vector.bitcast %get3A_122 : vector<16xi32> to vector<32xbf16>
      %bitcast3A_126 = vector.bitcast %get3A_124 : vector<16xi32> to vector<32xbf16>
      %max3A_127 = arith.maximumf %bitcast3A_125, %bitcast3A_126 : vector<32xbf16>
      %bitcast3A_128 = vector.bitcast %max3A_127 : vector<32xbf16> to vector<16xi32>
      %eq3A_129 = arith.constant -8323200 : i32
      %eq3A_130 = vector.broadcast %eq3A_129 : i32 to vector<16xi32>
      %eq3A_131 = arith.cmpi eq, %bitcast3A_128, %eq3A_130 : vector<16xi32>
      %jit3A_132 = arith.constant 0 : i32
      %broadcast_in_dim3A_133 = vector.broadcast %jit3A_132 : i32 to vector<16xi32>
      %select_n3A_134 = arith.select %eq3A_131, %broadcast_in_dim3A_133, %bitcast3A_128 : vector<16xi1>, vector<16xi32>
      %swap3A_135 = arith.index_cast %add3A_120 : i32 to index
      %swap3A_136 = tpu.vector_load %arg6[%swap3A_135] {strides = array<i32>} : memref<40960xi32, #tpu.memory_space<vmem>>, vector<16xi32>,
      tpu.vector_store %arg6[%swap3A_135], %select_n3A_134 {strides = array<i32>} : memref<40960xi32, #tpu.memory_space<vmem>>, vector<16xi32>,
      %mul3A_137 = arith.constant 128 : i32
      %mul3A_138 = arith.muli %scan3A_81, %mul3A_137 : i32
      %add3A_139 = arith.constant 48 : i32
      %add3A_140 = arith.addi %mul3A_138, %add3A_139 : i32
      %get3A_141 = arith.index_cast %add3A_140 : i32 to index
      %get3A_142 = tpu.vector_load %arg6[%get3A_141] {strides = array<i32>} : memref<40960xi32, #tpu.memory_space<vmem>>, vector<16xi32>,
      %get3A_143 = arith.index_cast %add3A_140 : i32 to index
      %get3A_144 = tpu.vector_load %arg7[%get3A_143] {strides = array<i32>} : memref<40960xi32, #tpu.memory_space<vmem>>, vector<16xi32>,
      %bitcast3A_145 = vector.bitcast %get3A_142 : vector<16xi32> to vector<32xbf16>
      %bitcast3A_146 = vector.bitcast %get3A_144 : vector<16xi32> to vector<32xbf16>
      %max3A_147 = arith.maximumf %bitcast3A_145, %bitcast3A_146 : vector<32xbf16>
      %bitcast3A_148 = vector.bitcast %max3A_147 : vector<32xbf16> to vector<16xi32>
      %eq3A_149 = arith.constant -8323200 : i32
      %eq3A_150 = vector.broadcast %eq3A_149 : i32 to vector<16xi32>
      %eq3A_151 = arith.cmpi eq, %bitcast3A_148, %eq3A_150 : vector<16xi32>
      %jit3A_152 = arith.constant 0 : i32
      %broadcast_in_dim3A_153 = vector.broadcast %jit3A_152 : i32 to vector<16xi32>
      %select_n3A_154 = arith.select %eq3A_151, %broadcast_in_dim3A_153, %bitcast3A_148 : vector<16xi1>, vector<16xi32>
      %swap3A_155 = arith.index_cast %add3A_140 : i32 to index
      %swap3A_156 = tpu.vector_load %arg6[%swap3A_155] {strides = array<i32>} : memref<40960xi32, #tpu.memory_space<vmem>>, vector<16xi32>,
      tpu.vector_store %arg6[%swap3A_155], %select_n3A_154 {strides = array<i32>} : memref<40960xi32, #tpu.memory_space<vmem>>, vector<16xi32>,
      %mul3A_157 = arith.constant 128 : i32
      %mul3A_158 = arith.muli %scan3A_81, %mul3A_157 : i32
      %add3A_159 = arith.constant 64 : i32
      %add3A_160 = arith.addi %mul3A_158, %add3A_159 : i32
      %get3A_161 = arith.index_cast %add3A_160 : i32 to index
      %get3A_162 = tpu.vector_load %arg6[%get3A_161] {strides = array<i32>} : memref<40960xi32, #tpu.memory_space<vmem>>, vector<16xi32>,
      %get3A_163 = arith.index_cast %add3A_160 : i32 to index
      %get3A_164 = tpu.vector_load %arg7[%get3A_163] {strides = array<i32>} : memref<40960xi32, #tpu.memory_space<vmem>>, vector<16xi32>,
      %bitcast3A_165 = vector.bitcast %get3A_162 : vector<16xi32> to vector<32xbf16>
      %bitcast3A_166 = vector.bitcast %get3A_164 : vector<16xi32> to vector<32xbf16>
      %max3A_167 = arith.maximumf %bitcast3A_165, %bitcast3A_166 : vector<32xbf16>
      %bitcast3A_168 = vector.bitcast %max3A_167 : vector<32xbf16> to vector<16xi32>
      %eq3A_169 = arith.constant -8323200 : i32
      %eq3A_170 = vector.broadcast %eq3A_169 : i32 to vector<16xi32>
      %eq3A_171 = arith.cmpi eq, %bitcast3A_168, %eq3A_170 : vector<16xi32>
      %jit3A_172 = arith.constant 0 : i32
      %broadcast_in_dim3A_173 = vector.broadcast %jit3A_172 : i32 to vector<16xi32>
      %select_n3A_174 = arith.select %eq3A_171, %broadcast_in_dim3A_173, %bitcast3A_168 : vector<16xi1>, vector<16xi32>
      %swap3A_175 = arith.index_cast %add3A_160 : i32 to index
      %swap3A_176 = tpu.vector_load %arg6[%swap3A_175] {strides = array<i32>} : memref<40960xi32, #tpu.memory_space<vmem>>, vector<16xi32>,
      tpu.vector_store %arg6[%swap3A_175], %select_n3A_174 {strides = array<i32>} : memref<40960xi32, #tpu.memory_space<vmem>>, vector<16xi32>,
      %mul3A_177 = arith.constant 128 : i32
      %mul3A_178 = arith.muli %scan3A_81, %mul3A_177 : i32
      %add3A_179 = arith.constant 80 : i32
      %add3A_180 = arith.addi %mul3A_178, %add3A_179 : i32
      %get3A_181 = arith.index_cast %add3A_180 : i32 to index
      %get3A_182 = tpu.vector_load %arg6[%get3A_181] {strides = array<i32>} : memref<40960xi32, #tpu.memory_space<vmem>>, vector<16xi32>,
      %get3A_183 = arith.index_cast %add3A_180 : i32 to index
      %get3A_184 = tpu.vector_load %arg7[%get3A_183] {strides = array<i32>} : memref<40960xi32, #tpu.memory_space<vmem>>, vector<16xi32>,
      %bitcast3A_185 = vector.bitcast %get3A_182 : vector<16xi32> to vector<32xbf16>
      %bitcast3A_186 = vector.bitcast %get3A_184 : vector<16xi32> to vector<32xbf16>
      %max3A_187 = arith.maximumf %bitcast3A_185, %bitcast3A_186 : vector<32xbf16>
      %bitcast3A_188 = vector.bitcast %max3A_187 : vector<32xbf16> to vector<16xi32>
      %eq3A_189 = arith.constant -8323200 : i32
      %eq3A_190 = vector.broadcast %eq3A_189 : i32 to vector<16xi32>
      %eq3A_191 = arith.cmpi eq, %bitcast3A_188, %eq3A_190 : vector<16xi32>
      %jit3A_192 = arith.constant 0 : i32
      %broadcast_in_dim3A_193 = vector.broadcast %jit3A_192 : i32 to vector<16xi32>
      %select_n3A_194 = arith.select %eq3A_191, %broadcast_in_dim3A_193, %bitcast3A_188 : vector<16xi1>, vector<16xi32>
      %swap3A_195 = arith.index_cast %add3A_180 : i32 to index
      %swap3A_196 = tpu.vector_load %arg6[%swap3A_195] {strides = array<i32>} : memref<40960xi32, #tpu.memory_space<vmem>>, vector<16xi32>,
      tpu.vector_store %arg6[%swap3A_195], %select_n3A_194 {strides = array<i32>} : memref<40960xi32, #tpu.memory_space<vmem>>, vector<16xi32>,
      %mul3A_197 = arith.constant 128 : i32
      %mul3A_198 = arith.muli %scan3A_81, %mul3A_197 : i32
      %add3A_199 = arith.constant 96 : i32
      %add3A_200 = arith.addi %mul3A_198, %add3A_199 : i32
      %get3A_201 = arith.index_cast %add3A_200 : i32 to index
      %get3A_202 = tpu.vector_load %arg6[%get3A_201] {strides = array<i32>} : memref<40960xi32, #tpu.memory_space<vmem>>, vector<16xi32>,
      %get3A_203 = arith.index_cast %add3A_200 : i32 to index
      %get3A_204 = tpu.vector_load %arg7[%get3A_203] {strides = array<i32>} : memref<40960xi32, #tpu.memory_space<vmem>>, vector<16xi32>,
      %bitcast3A_205 = vector.bitcast %get3A_202 : vector<16xi32> to vector<32xbf16>
      %bitcast3A_206 = vector.bitcast %get3A_204 : vector<16xi32> to vector<32xbf16>
      %max3A_207 = arith.maximumf %bitcast3A_205, %bitcast3A_206 : vector<32xbf16>
      %bitcast3A_208 = vector.bitcast %max3A_207 : vector<32xbf16> to vector<16xi32>
      %eq3A_209 = arith.constant -8323200 : i32
      %eq3A_210 = vector.broadcast %eq3A_209 : i32 to vector<16xi32>
      %eq3A_211 = arith.cmpi eq, %bitcast3A_208, %eq3A_210 : vector<16xi32>
      %jit3A_212 = arith.constant 0 : i32
      %broadcast_in_dim3A_213 = vector.broadcast %jit3A_212 : i32 to vector<16xi32>
      %select_n3A_214 = arith.select %eq3A_211, %broadcast_in_dim3A_213, %bitcast3A_208 : vector<16xi1>, vector<16xi32>
      %swap3A_215 = arith.index_cast %add3A_200 : i32 to index
      %swap3A_216 = tpu.vector_load %arg6[%swap3A_215] {strides = array<i32>} : memref<40960xi32, #tpu.memory_space<vmem>>, vector<16xi32>,
      tpu.vector_store %arg6[%swap3A_215], %select_n3A_214 {strides = array<i32>} : memref<40960xi32, #tpu.memory_space<vmem>>, vector<16xi32>,
      %mul3A_217 = arith.constant 128 : i32
      %mul3A_218 = arith.muli %scan3A_81, %mul3A_217 : i32
      %add3A_219 = arith.constant 112 : i32
      %add3A_220 = arith.addi %mul3A_218, %add3A_219 : i32
      %get3A_221 = arith.index_cast %add3A_220 : i32 to index
      %get3A_222 = tpu.vector_load %arg6[%get3A_221] {strides = array<i32>} : memref<40960xi32, #tpu.memory_space<vmem>>, vector<16xi32>,
      %get3A_223 = arith.index_cast %add3A_220 : i32 to index
      %get3A_224 = tpu.vector_load %arg7[%get3A_223] {strides = array<i32>} : memref<40960xi32, #tpu.memory_space<vmem>>, vector<16xi32>,
      %bitcast3A_225 = vector.bitcast %get3A_222 : vector<16xi32> to vector<32xbf16>
      %bitcast3A_226 = vector.bitcast %get3A_224 : vector<16xi32> to vector<32xbf16>
      %max3A_227 = arith.maximumf %bitcast3A_225, %bitcast3A_226 : vector<32xbf16>
      %bitcast3A_228 = vector.bitcast %max3A_227 : vector<32xbf16> to vector<16xi32>
      %eq3A_229 = arith.constant -8323200 : i32
      %eq3A_230 = vector.broadcast %eq3A_229 : i32 to vector<16xi32>
      %eq3A_231 = arith.cmpi eq, %bitcast3A_228, %eq3A_230 : vector<16xi32>
      %jit3A_232 = arith.constant 0 : i32
      %broadcast_in_dim3A_233 = vector.broadcast %jit3A_232 : i32 to vector<16xi32>
      %select_n3A_234 = arith.select %eq3A_231, %broadcast_in_dim3A_233, %bitcast3A_228 : vector<16xi1>, vector<16xi32>
      %swap3A_235 = arith.index_cast %add3A_220 : i32 to index
      %swap3A_236 = tpu.vector_load %arg6[%swap3A_235] {strides = array<i32>} : memref<40960xi32, #tpu.memory_space<vmem>>, vector<16xi32>,
      tpu.vector_store %arg6[%swap3A_235], %select_n3A_234 {strides = array<i32>} : memref<40960xi32, #tpu.memory_space<vmem>>, vector<16xi32>,
      %scan3A_237 = arith.constant 0 : i32
      scf.yield %scan3A_237 : i32
    }
    %scan3A_73 = arith.constant 320 : i32
    %eq3A = arith.constant 0 : i32
    %eq3A_74 = arith.cmpi eq, %arg0, %eq3A : i32
    %convert_element_type3A = arith.extui %eq3A_74 : i1 to i32
    %cond3A = arith.constant 0 : i32
    %cond3A_75 = arith.cmpi ne, %convert_element_type3A, %cond3A : i32
    scf.if %cond3A_75 {
      %mul3A_81 = arith.constant 40960 : i32
      %mul3A_82 = arith.muli %arg1, %mul3A_81 : i32
      "tpu.region"() ({
        %run_scoped3A = tpu.sem_alloc : memref<!tpu.dma_semaphore, #tpu.memory_space<semaphore_mem>>
        %dma_start3A = tpu.memref_slice %arg4[%mul3A_82] : memref<655360xi32, #tpu.memory_space<hbm>> -> memref<40960xi32, #tpu.memory_space<hbm>>
        %dma_start3A_83 = tpu.memref_slice %arg4[%mul3A_82] : memref<655360xi32, #tpu.memory_space<hbm>> -> memref<40960xi32, #tpu.memory_space<hbm>>
        tpu.enqueue_dma source(%arg6 : memref<40960xi32, #tpu.memory_space<vmem>>) target(%dma_start3A_83 : memref<40960xi32, #tpu.memory_space<hbm>>) target_semaphore(%run_scoped3A : memref<!tpu.dma_semaphore, #tpu.memory_space<semaphore_mem>>)
        %dma_wait3A = tpu.memref_slice %arg4[%mul3A_82] : memref<655360xi32, #tpu.memory_space<hbm>> -> memref<40960xi32, #tpu.memory_space<hbm>>
        %dma_wait3A_84 = tpu.memref_slice %arg4[%mul3A_82] : memref<655360xi32, #tpu.memory_space<hbm>> -> memref<40960xi32, #tpu.memory_space<hbm>>
        tpu.wait_dma2 semaphore(%run_scoped3A : memref<!tpu.dma_semaphore, #tpu.memory_space<semaphore_mem>>) src(%arg6 : memref<40960xi32, #tpu.memory_space<vmem>>) dst(%dma_wait3A_84 : memref<40960xi32, #tpu.memory_space<hbm>>)
        tpu.yield
      }) : () -> ()
    } else {
    }
    %eq3A_76 = arith.constant 1 : i32
    %eq3A_77 = arith.cmpi eq, %arg0, %eq3A_76 : i32
    %convert_element_type3A_78 = arith.extui %eq3A_77 : i1 to i32
    %cond3A_79 = arith.constant 0 : i32
    %cond3A_80 = arith.cmpi ne, %convert_element_type3A_78, %cond3A_79 : i32
    scf.if %cond3A_80 {
      %mul3A_81 = arith.constant 40960 : i32
      %mul3A_82 = arith.muli %arg1, %mul3A_81 : i32
      "tpu.region"() ({
        %run_scoped3A = tpu.sem_alloc : memref<!tpu.dma_semaphore, #tpu.memory_space<semaphore_mem>>
        %dma_start3A = tpu.memref_slice %arg5[%mul3A_82] : memref<655360xi32, #tpu.memory_space<hbm>> -> memref<40960xi32, #tpu.memory_space<hbm>>
        %dma_start3A_83 = tpu.memref_slice %arg5[%mul3A_82] : memref<655360xi32, #tpu.memory_space<hbm>> -> memref<40960xi32, #tpu.memory_space<hbm>>
        tpu.enqueue_dma source(%arg6 : memref<40960xi32, #tpu.memory_space<vmem>>) target(%dma_start3A_83 : memref<40960xi32, #tpu.memory_space<hbm>>) target_semaphore(%run_scoped3A : memref<!tpu.dma_semaphore, #tpu.memory_space<semaphore_mem>>)
        %dma_wait3A = tpu.memref_slice %arg5[%mul3A_82] : memref<655360xi32, #tpu.memory_space<hbm>> -> memref<40960xi32, #tpu.memory_space<hbm>>
        %dma_wait3A_84 = tpu.memref_slice %arg5[%mul3A_82] : memref<655360xi32, #tpu.memory_space<hbm>> -> memref<40960xi32, #tpu.memory_space<hbm>>
        tpu.wait_dma2 semaphore(%run_scoped3A : memref<!tpu.dma_semaphore, #tpu.memory_space<semaphore_mem>>) src(%arg6 : memref<40960xi32, #tpu.memory_space<vmem>>) dst(%dma_wait3A_84 : memref<40960xi32, #tpu.memory_space<hbm>>)
        tpu.yield
      }) : () -> ()
    } else {
    }
    return
  }
}

module attributes {stable_mosaic.version = 14 : i64} {
  func.func @_stage1_body(%arg0: i32, %arg1: memref<1000x128xf32, #tpu.memory_space<vmem>>, %arg2: memref<1000x128xf32, #tpu.memory_space<vmem>>, %arg3: memref<1000x128xf32, #tpu.memory_space<vmem>>, %arg4: memref<384x128xf32, #tpu.memory_space<vmem>>, %arg5: memref<1x128xf32, #tpu.memory_space<vmem>>, %arg6: memref<1000x128xf32, #tpu.memory_space<vmem>>, %arg7: memref<1x128xf32, #tpu.memory_space<vmem>>, %arg8: memref<1x128xf32, #tpu.memory_space<vmem>>) attributes {dimension_semantics = [#tpu.dimension_semantics<arbitrary>], iteration_bounds = array<i64: 10>, scalar_prefetch = 0 : i64, scratch_operands = 0 : i64, tpu.core_type = #tpu.core_type<tc>, window_params = [{transform_indices = @transform_0, window_bounds = array<i64: 1000, 128>}, {transform_indices = @transform_1, window_bounds = array<i64: 1000, 128>}, {transform_indices = @transform_2, window_bounds = array<i64: 1000, 128>}, {pipeline_mode = #tpu.pipeline_mode<synchronous>, transform_indices = @transform_3, window_bounds = array<i64: 384, 128>}, {pipeline_mode = #tpu.pipeline_mode<synchronous>, transform_indices = @transform_4, window_bounds = array<i64: 1, 128>}, {transform_indices = @transform_5, window_bounds = array<i64: 1000, 128>}, {pipeline_mode = #tpu.pipeline_mode<synchronous>, transform_indices = @transform_6, window_bounds = array<i64: 1, 128>}, {pipeline_mode = #tpu.pipeline_mode<synchronous>, transform_indices = @transform_7, window_bounds = array<i64: 1, 128>}]} {
    %get3A = arith.constant 0 : index
    %get3A_0 = arith.constant 0 : index
    %get3A_1 = vector.load %arg1[%get3A, %get3A_0] : memref<1000x128xf32, #tpu.memory_space<vmem>>, vector<1000x128xf32>
    %get3A_2 = arith.constant 0 : index
    %get3A_3 = arith.constant 0 : index
    %get3A_4 = vector.load %arg4[%get3A_2, %get3A_3] : memref<384x128xf32, #tpu.memory_space<vmem>>, vector<128x128xf32>
    %dot_general3A = arith.constant dense<0.000000e+00> : vector<1000x128xf32>
    %dot_general3A_5 = tpu.matmul %get3A_1, %get3A_4, %dot_general3A {dimension_numbers = #tpu.dot_dimension_numbers<[1], [0], [0], [1], [0, 0, 1, 1], [], []>, transpose_lhs_hint = false} : vector<1000x128xf32>, vector<128x128xf32>, vector<1000x128xf32> -> vector<1000x128xf32>
    %get3A_6 = arith.constant 0 : index
    %get3A_7 = arith.constant 0 : index
    %get3A_8 = vector.load %arg2[%get3A_6, %get3A_7] : memref<1000x128xf32, #tpu.memory_space<vmem>>, vector<1000x128xf32>
    %get3A_9 = arith.constant 128 : index
    %get3A_10 = arith.constant 0 : index
    %get3A_11 = vector.load %arg4[%get3A_9, %get3A_10] : memref<384x128xf32, #tpu.memory_space<vmem>>, vector<128x128xf32>
    %dot_general3A_12 = arith.constant dense<0.000000e+00> : vector<1000x128xf32>
    %dot_general3A_13 = tpu.matmul %get3A_8, %get3A_11, %dot_general3A_12 {dimension_numbers = #tpu.dot_dimension_numbers<[1], [0], [0], [1], [0, 0, 1, 1], [], []>, transpose_lhs_hint = false} : vector<1000x128xf32>, vector<128x128xf32>, vector<1000x128xf32> -> vector<1000x128xf32>
    %add3A = arith.addf %dot_general3A_5, %dot_general3A_13 : vector<1000x128xf32>
    %get3A_14 = arith.constant 0 : index
    %get3A_15 = arith.constant 0 : index
    %get3A_16 = vector.load %arg3[%get3A_14, %get3A_15] : memref<1000x128xf32, #tpu.memory_space<vmem>>, vector<1000x128xf32>
    %get3A_17 = arith.constant 256 : index
    %get3A_18 = arith.constant 0 : index
    %get3A_19 = vector.load %arg4[%get3A_17, %get3A_18] : memref<384x128xf32, #tpu.memory_space<vmem>>, vector<128x128xf32>
    %dot_general3A_20 = arith.constant dense<0.000000e+00> : vector<1000x128xf32>
    %dot_general3A_21 = tpu.matmul %get3A_16, %get3A_19, %dot_general3A_20 {dimension_numbers = #tpu.dot_dimension_numbers<[1], [0], [0], [1], [0, 0, 1, 1], [], []>, transpose_lhs_hint = false} : vector<1000x128xf32>, vector<128x128xf32>, vector<1000x128xf32> -> vector<1000x128xf32>
    %add3A_22 = arith.addf %add3A, %dot_general3A_21 : vector<1000x128xf32>
    %get3A_23 = arith.constant 0 : index
    %get3A_24 = arith.constant 0 : index
    %get3A_25 = vector.load %arg5[%get3A_23, %get3A_24] : memref<1x128xf32, #tpu.memory_space<vmem>>, vector<1x128xf32>
    %add3A_26 = vector.broadcast %get3A_25 : vector<1x128xf32> to vector<1000x128xf32>
    %add3A_27 = arith.addf %add3A_22, %add3A_26 : vector<1000x128xf32>
    %swap3A = arith.constant 0 : index
    %swap3A_28 = arith.constant 0 : index
    %swap3A_29 = vector.load %arg6[%swap3A, %swap3A_28] : memref<1000x128xf32, #tpu.memory_space<vmem>>, vector<1000x128xf32>
    tpu.vector_store %arg6[%swap3A, %swap3A_28], %add3A_27 {strides = array<i32>} : memref<1000x128xf32, #tpu.memory_space<vmem>>, vector<1000x128xf32>,
    %eq3A = arith.constant 0 : i32
    %eq3A_30 = arith.cmpi eq, %arg0, %eq3A : i32
    %convert_element_type3A = arith.extui %eq3A_30 : i1 to i32
    %cond3A = arith.constant 0 : i32
    %cond3A_31 = arith.cmpi ne, %convert_element_type3A, %cond3A : i32
    scf.if %cond3A_31 {
      %broadcast_in_dim3A_50 = arith.constant 0.000000e+00 : f32
      %broadcast_in_dim3A_51 = vector.broadcast %broadcast_in_dim3A_50 : f32 to vector<1x128xf32>
      %swap3A_52 = arith.constant 0 : index
      %swap3A_53 = arith.constant 0 : index
      %swap3A_54 = vector.load %arg7[%swap3A_52, %swap3A_53] : memref<1x128xf32, #tpu.memory_space<vmem>>, vector<1x128xf32>
      tpu.vector_store %arg7[%swap3A_52, %swap3A_53], %broadcast_in_dim3A_51 {strides = array<i32>} : memref<1x128xf32, #tpu.memory_space<vmem>>, vector<1x128xf32>,
      %broadcast_in_dim3A_55 = arith.constant 0.000000e+00 : f32
      %broadcast_in_dim3A_56 = vector.broadcast %broadcast_in_dim3A_55 : f32 to vector<1x128xf32>
      %swap3A_57 = arith.constant 0 : index
      %swap3A_58 = arith.constant 0 : index
      %swap3A_59 = vector.load %arg8[%swap3A_57, %swap3A_58] : memref<1x128xf32, #tpu.memory_space<vmem>>, vector<1x128xf32>
      tpu.vector_store %arg8[%swap3A_57, %swap3A_58], %broadcast_in_dim3A_56 {strides = array<i32>} : memref<1x128xf32, #tpu.memory_space<vmem>>, vector<1x128xf32>,
    } else {
    }
    %get3A_32 = arith.constant 0 : index
    %get3A_33 = arith.constant 0 : index
    %get3A_34 = vector.load %arg7[%get3A_32, %get3A_33] : memref<1x128xf32, #tpu.memory_space<vmem>>, vector<1x128xf32>
    %reduce_sum3A = arith.constant dense<0.000000e+00> : vector<128xf32>
    %reduce_sum3A_35 = vector.multi_reduction <add>, %add3A_27, %reduce_sum3A [0] : vector<1000x128xf32> to vector<128xf32>
    %broadcast_in_dim3A = vector.shape_cast %reduce_sum3A_35 : vector<128xf32> to vector<1x128xf32>
    %add3A_36 = arith.addf %get3A_34, %broadcast_in_dim3A : vector<1x128xf32>
    %swap3A_37 = arith.constant 0 : index
    %swap3A_38 = arith.constant 0 : index
    %swap3A_39 = vector.load %arg7[%swap3A_37, %swap3A_38] : memref<1x128xf32, #tpu.memory_space<vmem>>, vector<1x128xf32>
    tpu.vector_store %arg7[%swap3A_37, %swap3A_38], %add3A_36 {strides = array<i32>} : memref<1x128xf32, #tpu.memory_space<vmem>>, vector<1x128xf32>,
    %get3A_40 = arith.constant 0 : index
    %get3A_41 = arith.constant 0 : index
    %get3A_42 = vector.load %arg8[%get3A_40, %get3A_41] : memref<1x128xf32, #tpu.memory_space<vmem>>, vector<1x128xf32>
    %mul3A = arith.mulf %add3A_27, %add3A_27 : vector<1000x128xf32>
    %reduce_sum3A_43 = arith.constant dense<0.000000e+00> : vector<128xf32>
    %reduce_sum3A_44 = vector.multi_reduction <add>, %mul3A, %reduce_sum3A_43 [0] : vector<1000x128xf32> to vector<128xf32>
    %broadcast_in_dim3A_45 = vector.shape_cast %reduce_sum3A_44 : vector<128xf32> to vector<1x128xf32>
    %add3A_46 = arith.addf %get3A_42, %broadcast_in_dim3A_45 : vector<1x128xf32>
    %swap3A_47 = arith.constant 0 : index
    %swap3A_48 = arith.constant 0 : index
    %swap3A_49 = vector.load %arg8[%swap3A_47, %swap3A_48] : memref<1x128xf32, #tpu.memory_space<vmem>>, vector<1x128xf32>
    tpu.vector_store %arg8[%swap3A_47, %swap3A_48], %add3A_46 {strides = array<i32>} : memref<1x128xf32, #tpu.memory_space<vmem>>, vector<1x128xf32>,
    return
  }
  func.func @transform_0(%arg0: i32) -> (i32, i32) {
    %c0_i32 = arith.constant 0 : i32
    %c0_i32_0 = arith.constant 0 : i32
    return %arg0, %c0_i32 : i32, i32
  }
  func.func @transform_1(%arg0: i32) -> (i32, i32) {
    %c0_i32 = arith.constant 0 : i32
    %c0_i32_0 = arith.constant 0 : i32
    return %arg0, %c0_i32 : i32, i32
  }
  func.func @transform_2(%arg0: i32) -> (i32, i32) {
    %c0_i32 = arith.constant 0 : i32
    %c0_i32_0 = arith.constant 0 : i32
    return %arg0, %c0_i32 : i32, i32
  }
  func.func @transform_3(%arg0: i32) -> (i32, i32) {
    %c0_i32 = arith.constant 0 : i32
    %c0_i32_0 = arith.constant 0 : i32
    %c0_i32_1 = arith.constant 0 : i32
    return %c0_i32, %c0_i32_0 : i32, i32
  }
  func.func @transform_4(%arg0: i32) -> (i32, i32) {
    %c0_i32 = arith.constant 0 : i32
    %c0_i32_0 = arith.constant 0 : i32
    %c0_i32_1 = arith.constant 0 : i32
    return %c0_i32, %c0_i32_0 : i32, i32
  }
  func.func @transform_5(%arg0: i32) -> (i32, i32) {
    %c0_i32 = arith.constant 0 : i32
    %c0_i32_0 = arith.constant 0 : i32
    return %arg0, %c0_i32 : i32, i32
  }
  func.func @transform_6(%arg0: i32) -> (i32, i32) {
    %c0_i32 = arith.constant 0 : i32
    %c0_i32_0 = arith.constant 0 : i32
    %c0_i32_1 = arith.constant 0 : i32
    return %c0_i32, %c0_i32_0 : i32, i32
  }
  func.func @transform_7(%arg0: i32) -> (i32, i32) {
    %c0_i32 = arith.constant 0 : i32
    %c0_i32_0 = arith.constant 0 : i32
    %c0_i32_1 = arith.constant 0 : i32
    return %c0_i32, %c0_i32_0 : i32, i32
  }
}

module attributes {stable_mosaic.version = 14 : i64} {
  func.func @_stage2_body(%arg0: i32, %arg1: memref<1000x128xf32, #tpu.memory_space<vmem>>, %arg2: memref<1x128xf32, #tpu.memory_space<vmem>>, %arg3: memref<1x128xf32, #tpu.memory_space<vmem>>, %arg4: memref<1x128xf32, #tpu.memory_space<vmem>>, %arg5: memref<1x128xf32, #tpu.memory_space<vmem>>, %arg6: memref<128x128xf32, #tpu.memory_space<vmem>>, %arg7: memref<1x128xf32, #tpu.memory_space<vmem>>, %arg8: memref<1000x128xf32, #tpu.memory_space<vmem>>, %arg9: memref<1x128xf32, #tpu.memory_space<vmem>>, %arg10: memref<1x128xf32, #tpu.memory_space<vmem>>) attributes {dimension_semantics = [#tpu.dimension_semantics<arbitrary>], iteration_bounds = array<i64: 10>, scalar_prefetch = 0 : i64, scratch_operands = 0 : i64, tpu.core_type = #tpu.core_type<tc>, window_params = [{transform_indices = @transform_0, window_bounds = array<i64: 1000, 128>}, {pipeline_mode = #tpu.pipeline_mode<synchronous>, transform_indices = @transform_1, window_bounds = array<i64: 1, 128>}, {pipeline_mode = #tpu.pipeline_mode<synchronous>, transform_indices = @transform_2, window_bounds = array<i64: 1, 128>}, {pipeline_mode = #tpu.pipeline_mode<synchronous>, transform_indices = @transform_3, window_bounds = array<i64: 1, 128>}, {pipeline_mode = #tpu.pipeline_mode<synchronous>, transform_indices = @transform_4, window_bounds = array<i64: 1, 128>}, {pipeline_mode = #tpu.pipeline_mode<synchronous>, transform_indices = @transform_5, window_bounds = array<i64: 128, 128>}, {pipeline_mode = #tpu.pipeline_mode<synchronous>, transform_indices = @transform_6, window_bounds = array<i64: 1, 128>}, {transform_indices = @transform_7, window_bounds = array<i64: 1000, 128>}, {pipeline_mode = #tpu.pipeline_mode<synchronous>, transform_indices = @transform_8, window_bounds = array<i64: 1, 128>}, {pipeline_mode = #tpu.pipeline_mode<synchronous>, transform_indices = @transform_9, window_bounds = array<i64: 1, 128>}]} {
    %get3A = arith.constant 0 : index
    %get3A_0 = arith.constant 0 : index
    %get3A_1 = vector.load %arg2[%get3A, %get3A_0] : memref<1x128xf32, #tpu.memory_space<vmem>>, vector<1x128xf32>
    %div3A = arith.constant 1.000000e+04 : f32
    %div3A_2 = vector.broadcast %div3A : f32 to vector<1x128xf32>
    %div3A_3 = arith.divf %get3A_1, %div3A_2 : vector<1x128xf32>
    %get3A_4 = arith.constant 0 : index
    %get3A_5 = arith.constant 0 : index
    %get3A_6 = vector.load %arg3[%get3A_4, %get3A_5] : memref<1x128xf32, #tpu.memory_space<vmem>>, vector<1x128xf32>
    %div3A_7 = arith.constant 1.000000e+04 : f32
    %div3A_8 = vector.broadcast %div3A_7 : f32 to vector<1x128xf32>
    %div3A_9 = arith.divf %get3A_6, %div3A_8 : vector<1x128xf32>
    %mul3A = arith.mulf %div3A_3, %div3A_3 : vector<1x128xf32>
    %sub3A = arith.subf %div3A_9, %mul3A : vector<1x128xf32>
    %add3A = arith.constant 9.99999974E-6 : f32
    %add3A_10 = vector.broadcast %add3A : f32 to vector<1x128xf32>
    %add3A_11 = arith.addf %sub3A, %add3A_10 : vector<1x128xf32>
    %rsqrt3A = math.rsqrt %add3A_11 : vector<1x128xf32>
    %get3A_12 = arith.constant 0 : index
    %get3A_13 = arith.constant 0 : index
    %get3A_14 = vector.load %arg1[%get3A_12, %get3A_13] : memref<1000x128xf32, #tpu.memory_space<vmem>>, vector<1000x128xf32>
    %sub3A_15 = vector.broadcast %div3A_3 : vector<1x128xf32> to vector<1000x128xf32>
    %sub3A_16 = arith.subf %get3A_14, %sub3A_15 : vector<1000x128xf32>
    %mul3A_17 = vector.broadcast %rsqrt3A : vector<1x128xf32> to vector<1000x128xf32>
    %mul3A_18 = arith.mulf %sub3A_16, %mul3A_17 : vector<1000x128xf32>
    %get3A_19 = arith.constant 0 : index
    %get3A_20 = arith.constant 0 : index
    %get3A_21 = vector.load %arg4[%get3A_19, %get3A_20] : memref<1x128xf32, #tpu.memory_space<vmem>>, vector<1x128xf32>
    %mul3A_22 = vector.broadcast %get3A_21 : vector<1x128xf32> to vector<1000x128xf32>
    %mul3A_23 = arith.mulf %mul3A_18, %mul3A_22 : vector<1000x128xf32>
    %get3A_24 = arith.constant 0 : index
    %get3A_25 = arith.constant 0 : index
    %get3A_26 = vector.load %arg5[%get3A_24, %get3A_25] : memref<1x128xf32, #tpu.memory_space<vmem>>, vector<1x128xf32>
    %add3A_27 = vector.broadcast %get3A_26 : vector<1x128xf32> to vector<1000x128xf32>
    %add3A_28 = arith.addf %mul3A_23, %add3A_27 : vector<1000x128xf32>
    %max3A = arith.constant 0.000000e+00 : f32
    %max3A_29 = vector.broadcast %max3A : f32 to vector<1000x128xf32>
    %max3A_30 = arith.maximumf %add3A_28, %max3A_29 : vector<1000x128xf32>
    %get3A_31 = arith.constant 0 : index
    %get3A_32 = arith.constant 0 : index
    %get3A_33 = vector.load %arg6[%get3A_31, %get3A_32] : memref<128x128xf32, #tpu.memory_space<vmem>>, vector<128x128xf32>
    %dot_general3A = arith.constant dense<0.000000e+00> : vector<1000x128xf32>
    %dot_general3A_34 = tpu.matmul %max3A_30, %get3A_33, %dot_general3A {dimension_numbers = #tpu.dot_dimension_numbers<[1], [0], [0], [1], [0, 0, 1, 1], [], []>, transpose_lhs_hint = false} : vector<1000x128xf32>, vector<128x128xf32>, vector<1000x128xf32> -> vector<1000x128xf32>
    %get3A_35 = arith.constant 0 : index
    %get3A_36 = arith.constant 0 : index
    %get3A_37 = vector.load %arg7[%get3A_35, %get3A_36] : memref<1x128xf32, #tpu.memory_space<vmem>>, vector<1x128xf32>
    %add3A_38 = vector.broadcast %get3A_37 : vector<1x128xf32> to vector<1000x128xf32>
    %add3A_39 = arith.addf %dot_general3A_34, %add3A_38 : vector<1000x128xf32>
    %swap3A = arith.constant 0 : index
    %swap3A_40 = arith.constant 0 : index
    %swap3A_41 = vector.load %arg8[%swap3A, %swap3A_40] : memref<1000x128xf32, #tpu.memory_space<vmem>>, vector<1000x128xf32>
    tpu.vector_store %arg8[%swap3A, %swap3A_40], %add3A_39 {strides = array<i32>} : memref<1000x128xf32, #tpu.memory_space<vmem>>, vector<1000x128xf32>,
    %eq3A = arith.constant 0 : i32
    %eq3A_42 = arith.cmpi eq, %arg0, %eq3A : i32
    %convert_element_type3A = arith.extui %eq3A_42 : i1 to i32
    %cond3A = arith.constant 0 : i32
    %cond3A_43 = arith.cmpi ne, %convert_element_type3A, %cond3A : i32
    scf.if %cond3A_43 {
      %broadcast_in_dim3A_63 = arith.constant 0.000000e+00 : f32
      %broadcast_in_dim3A_64 = vector.broadcast %broadcast_in_dim3A_63 : f32 to vector<1x128xf32>
      %swap3A_65 = arith.constant 0 : index
      %swap3A_66 = arith.constant 0 : index
      %swap3A_67 = vector.load %arg9[%swap3A_65, %swap3A_66] : memref<1x128xf32, #tpu.memory_space<vmem>>, vector<1x128xf32>
      tpu.vector_store %arg9[%swap3A_65, %swap3A_66], %broadcast_in_dim3A_64 {strides = array<i32>} : memref<1x128xf32, #tpu.memory_space<vmem>>, vector<1x128xf32>,
      %broadcast_in_dim3A_68 = arith.constant 0.000000e+00 : f32
      %broadcast_in_dim3A_69 = vector.broadcast %broadcast_in_dim3A_68 : f32 to vector<1x128xf32>
      %swap3A_70 = arith.constant 0 : index
      %swap3A_71 = arith.constant 0 : index
      %swap3A_72 = vector.load %arg10[%swap3A_70, %swap3A_71] : memref<1x128xf32, #tpu.memory_space<vmem>>, vector<1x128xf32>
      tpu.vector_store %arg10[%swap3A_70, %swap3A_71], %broadcast_in_dim3A_69 {strides = array<i32>} : memref<1x128xf32, #tpu.memory_space<vmem>>, vector<1x128xf32>,
    } else {
    }
    %get3A_44 = arith.constant 0 : index
    %get3A_45 = arith.constant 0 : index
    %get3A_46 = vector.load %arg9[%get3A_44, %get3A_45] : memref<1x128xf32, #tpu.memory_space<vmem>>, vector<1x128xf32>
    %reduce_sum3A = arith.constant dense<0.000000e+00> : vector<128xf32>
    %reduce_sum3A_47 = vector.multi_reduction <add>, %add3A_39, %reduce_sum3A [0] : vector<1000x128xf32> to vector<128xf32>
    %broadcast_in_dim3A = vector.shape_cast %reduce_sum3A_47 : vector<128xf32> to vector<1x128xf32>
    %add3A_48 = arith.addf %get3A_46, %broadcast_in_dim3A : vector<1x128xf32>
    %swap3A_49 = arith.constant 0 : index
    %swap3A_50 = arith.constant 0 : index
    %swap3A_51 = vector.load %arg9[%swap3A_49, %swap3A_50] : memref<1x128xf32, #tpu.memory_space<vmem>>, vector<1x128xf32>
    tpu.vector_store %arg9[%swap3A_49, %swap3A_50], %add3A_48 {strides = array<i32>} : memref<1x128xf32, #tpu.memory_space<vmem>>, vector<1x128xf32>,
    %get3A_52 = arith.constant 0 : index
    %get3A_53 = arith.constant 0 : index
    %get3A_54 = vector.load %arg10[%get3A_52, %get3A_53] : memref<1x128xf32, #tpu.memory_space<vmem>>, vector<1x128xf32>
    %mul3A_55 = arith.mulf %add3A_39, %add3A_39 : vector<1000x128xf32>
    %reduce_sum3A_56 = arith.constant dense<0.000000e+00> : vector<128xf32>
    %reduce_sum3A_57 = vector.multi_reduction <add>, %mul3A_55, %reduce_sum3A_56 [0] : vector<1000x128xf32> to vector<128xf32>
    %broadcast_in_dim3A_58 = vector.shape_cast %reduce_sum3A_57 : vector<128xf32> to vector<1x128xf32>
    %add3A_59 = arith.addf %get3A_54, %broadcast_in_dim3A_58 : vector<1x128xf32>
    %swap3A_60 = arith.constant 0 : index
    %swap3A_61 = arith.constant 0 : index
    %swap3A_62 = vector.load %arg10[%swap3A_60, %swap3A_61] : memref<1x128xf32, #tpu.memory_space<vmem>>, vector<1x128xf32>
    tpu.vector_store %arg10[%swap3A_60, %swap3A_61], %add3A_59 {strides = array<i32>} : memref<1x128xf32, #tpu.memory_space<vmem>>, vector<1x128xf32>,
    return
  }
  func.func @transform_0(%arg0: i32) -> (i32, i32) {
    %c0_i32 = arith.constant 0 : i32
    %c0_i32_0 = arith.constant 0 : i32
    return %arg0, %c0_i32 : i32, i32
  }
  func.func @transform_1(%arg0: i32) -> (i32, i32) {
    %c0_i32 = arith.constant 0 : i32
    %c0_i32_0 = arith.constant 0 : i32
    %c0_i32_1 = arith.constant 0 : i32
    return %c0_i32, %c0_i32_0 : i32, i32
  }
  func.func @transform_2(%arg0: i32) -> (i32, i32) {
    %c0_i32 = arith.constant 0 : i32
    %c0_i32_0 = arith.constant 0 : i32
    %c0_i32_1 = arith.constant 0 : i32
    return %c0_i32, %c0_i32_0 : i32, i32
  }
  func.func @transform_3(%arg0: i32) -> (i32, i32) {
    %c0_i32 = arith.constant 0 : i32
    %c0_i32_0 = arith.constant 0 : i32
    %c0_i32_1 = arith.constant 0 : i32
    return %c0_i32, %c0_i32_0 : i32, i32
  }
  func.func @transform_4(%arg0: i32) -> (i32, i32) {
    %c0_i32 = arith.constant 0 : i32
    %c0_i32_0 = arith.constant 0 : i32
    %c0_i32_1 = arith.constant 0 : i32
    return %c0_i32, %c0_i32_0 : i32, i32
  }
  func.func @transform_5(%arg0: i32) -> (i32, i32) {
    %c0_i32 = arith.constant 0 : i32
    %c0_i32_0 = arith.constant 0 : i32
    %c0_i32_1 = arith.constant 0 : i32
    return %c0_i32, %c0_i32_0 : i32, i32
  }
  func.func @transform_6(%arg0: i32) -> (i32, i32) {
    %c0_i32 = arith.constant 0 : i32
    %c0_i32_0 = arith.constant 0 : i32
    %c0_i32_1 = arith.constant 0 : i32
    return %c0_i32, %c0_i32_0 : i32, i32
  }
  func.func @transform_7(%arg0: i32) -> (i32, i32) {
    %c0_i32 = arith.constant 0 : i32
    %c0_i32_0 = arith.constant 0 : i32
    return %arg0, %c0_i32 : i32, i32
  }
  func.func @transform_8(%arg0: i32) -> (i32, i32) {
    %c0_i32 = arith.constant 0 : i32
    %c0_i32_0 = arith.constant 0 : i32
    %c0_i32_1 = arith.constant 0 : i32
    return %c0_i32, %c0_i32_0 : i32, i32
  }
  func.func @transform_9(%arg0: i32) -> (i32, i32) {
    %c0_i32 = arith.constant 0 : i32
    %c0_i32_0 = arith.constant 0 : i32
    %c0_i32_1 = arith.constant 0 : i32
    return %c0_i32, %c0_i32_0 : i32, i32
  }
}

module attributes {stable_mosaic.version = 14 : i64} {
  func.func @_stage3_body(%arg0: i32, %arg1: memref<1000x128xf32, #tpu.memory_space<vmem>>, %arg2: memref<1x128xf32, #tpu.memory_space<vmem>>, %arg3: memref<1x128xf32, #tpu.memory_space<vmem>>, %arg4: memref<1x128xf32, #tpu.memory_space<vmem>>, %arg5: memref<1x128xf32, #tpu.memory_space<vmem>>, %arg6: memref<1x128xf32, #tpu.memory_space<vmem>>, %arg7: memref<1x128xf32, #tpu.memory_space<vmem>>, %arg8: memref<1000x128xf32, #tpu.memory_space<vmem>>, %arg9: memref<1000x8xf32, #tpu.memory_space<vmem>>) attributes {dimension_semantics = [#tpu.dimension_semantics<arbitrary>], iteration_bounds = array<i64: 10>, scalar_prefetch = 0 : i64, scratch_operands = 0 : i64, tpu.core_type = #tpu.core_type<tc>, window_params = [{transform_indices = @transform_0, window_bounds = array<i64: 1000, 128>}, {pipeline_mode = #tpu.pipeline_mode<synchronous>, transform_indices = @transform_1, window_bounds = array<i64: 1, 128>}, {pipeline_mode = #tpu.pipeline_mode<synchronous>, transform_indices = @transform_2, window_bounds = array<i64: 1, 128>}, {pipeline_mode = #tpu.pipeline_mode<synchronous>, transform_indices = @transform_3, window_bounds = array<i64: 1, 128>}, {pipeline_mode = #tpu.pipeline_mode<synchronous>, transform_indices = @transform_4, window_bounds = array<i64: 1, 128>}, {pipeline_mode = #tpu.pipeline_mode<synchronous>, transform_indices = @transform_5, window_bounds = array<i64: 1, 128>}, {pipeline_mode = #tpu.pipeline_mode<synchronous>, transform_indices = @transform_6, window_bounds = array<i64: 1, 128>}, {transform_indices = @transform_7, window_bounds = array<i64: 1000, 128>}, {transform_indices = @transform_8, window_bounds = array<i64: 1000, 8>}]} {
    %get3A = arith.constant 0 : index
    %get3A_0 = arith.constant 0 : index
    %get3A_1 = vector.load %arg2[%get3A, %get3A_0] : memref<1x128xf32, #tpu.memory_space<vmem>>, vector<1x128xf32>
    %div3A = arith.constant 1.000000e+04 : f32
    %div3A_2 = vector.broadcast %div3A : f32 to vector<1x128xf32>
    %div3A_3 = arith.divf %get3A_1, %div3A_2 : vector<1x128xf32>
    %get3A_4 = arith.constant 0 : index
    %get3A_5 = arith.constant 0 : index
    %get3A_6 = vector.load %arg3[%get3A_4, %get3A_5] : memref<1x128xf32, #tpu.memory_space<vmem>>, vector<1x128xf32>
    %div3A_7 = arith.constant 1.000000e+04 : f32
    %div3A_8 = vector.broadcast %div3A_7 : f32 to vector<1x128xf32>
    %div3A_9 = arith.divf %get3A_6, %div3A_8 : vector<1x128xf32>
    %mul3A = arith.mulf %div3A_3, %div3A_3 : vector<1x128xf32>
    %sub3A = arith.subf %div3A_9, %mul3A : vector<1x128xf32>
    %add3A = arith.constant 9.99999974E-6 : f32
    %add3A_10 = vector.broadcast %add3A : f32 to vector<1x128xf32>
    %add3A_11 = arith.addf %sub3A, %add3A_10 : vector<1x128xf32>
    %rsqrt3A = math.rsqrt %add3A_11 : vector<1x128xf32>
    %get3A_12 = arith.constant 0 : index
    %get3A_13 = arith.constant 0 : index
    %get3A_14 = vector.load %arg1[%get3A_12, %get3A_13] : memref<1000x128xf32, #tpu.memory_space<vmem>>, vector<1000x128xf32>
    %sub3A_15 = vector.broadcast %div3A_3 : vector<1x128xf32> to vector<1000x128xf32>
    %sub3A_16 = arith.subf %get3A_14, %sub3A_15 : vector<1000x128xf32>
    %mul3A_17 = vector.broadcast %rsqrt3A : vector<1x128xf32> to vector<1000x128xf32>
    %mul3A_18 = arith.mulf %sub3A_16, %mul3A_17 : vector<1000x128xf32>
    %get3A_19 = arith.constant 0 : index
    %get3A_20 = arith.constant 0 : index
    %get3A_21 = vector.load %arg4[%get3A_19, %get3A_20] : memref<1x128xf32, #tpu.memory_space<vmem>>, vector<1x128xf32>
    %mul3A_22 = vector.broadcast %get3A_21 : vector<1x128xf32> to vector<1000x128xf32>
    %mul3A_23 = arith.mulf %mul3A_18, %mul3A_22 : vector<1000x128xf32>
    %get3A_24 = arith.constant 0 : index
    %get3A_25 = arith.constant 0 : index
    %get3A_26 = vector.load %arg5[%get3A_24, %get3A_25] : memref<1x128xf32, #tpu.memory_space<vmem>>, vector<1x128xf32>
    %add3A_27 = vector.broadcast %get3A_26 : vector<1x128xf32> to vector<1000x128xf32>
    %add3A_28 = arith.addf %mul3A_23, %add3A_27 : vector<1000x128xf32>
    %max3A = arith.constant 0.000000e+00 : f32
    %max3A_29 = vector.broadcast %max3A : f32 to vector<1000x128xf32>
    %max3A_30 = arith.maximumf %add3A_28, %max3A_29 : vector<1000x128xf32>
    %swap3A = arith.constant 0 : index
    %swap3A_31 = arith.constant 0 : index
    %swap3A_32 = vector.load %arg8[%swap3A, %swap3A_31] : memref<1000x128xf32, #tpu.memory_space<vmem>>, vector<1000x128xf32>
    tpu.vector_store %arg8[%swap3A, %swap3A_31], %max3A_30 {strides = array<i32>} : memref<1000x128xf32, #tpu.memory_space<vmem>>, vector<1000x128xf32>,
    %get3A_33 = arith.constant 0 : index
    %get3A_34 = arith.constant 0 : index
    %get3A_35 = vector.load %arg6[%get3A_33, %get3A_34] : memref<1x128xf32, #tpu.memory_space<vmem>>, vector<1x128xf32>
    %mul3A_36 = vector.broadcast %get3A_35 : vector<1x128xf32> to vector<1000x128xf32>
    %mul3A_37 = arith.mulf %max3A_30, %mul3A_36 : vector<1000x128xf32>
    %reduce_sum3A = arith.constant dense<0.000000e+00> : vector<1000xf32>
    %reduce_sum3A_38 = vector.multi_reduction <add>, %mul3A_37, %reduce_sum3A [1] : vector<1000x128xf32> to vector<1000xf32>
    %broadcast_in_dim3A = vector.shape_cast %reduce_sum3A_38 : vector<1000xf32> to vector<1000x1xf32>
    %get3A_39 = arith.constant 0 : index
    %get3A_40 = arith.constant 0 : index
    %get3A_41 = vector.load %arg7[%get3A_39, %get3A_40] : memref<1x128xf32, #tpu.memory_space<vmem>>, vector<1x1xf32>
    %get3A_42 = vector.extract %get3A_41[0, 0] : f32 from vector<1x1xf32>
    %add3A_43 = vector.broadcast %get3A_42 : f32 to vector<1000x1xf32>
    %add3A_44 = arith.addf %broadcast_in_dim3A, %add3A_43 : vector<1000x1xf32>
    %logistic3A = arith.negf %add3A_44 : vector<1000x1xf32>
    %logistic3A_45 = math.exp %logistic3A : vector<1000x1xf32>
    %logistic3A_46 = arith.constant 1.000000e+00 : f32
    %logistic3A_47 = vector.broadcast %logistic3A_46 : f32 to vector<1000x1xf32>
    %logistic3A_48 = arith.addf %logistic3A_47, %logistic3A_45 : vector<1000x1xf32>
    %logistic3A_49 = arith.divf %logistic3A_47, %logistic3A_48 : vector<1000x1xf32>
    %broadcast_in_dim3A_50 = vector.shape_cast %logistic3A_49 : vector<1000x1xf32> to vector<1000x1xf32>
    %broadcast_in_dim3A_51 = vector.broadcast %broadcast_in_dim3A_50 : vector<1000x1xf32> to vector<1000x8xf32>
    %swap3A_52 = arith.constant 0 : index
    %swap3A_53 = arith.constant 0 : index
    %swap3A_54 = vector.load %arg9[%swap3A_52, %swap3A_53] : memref<1000x8xf32, #tpu.memory_space<vmem>>, vector<1000x8xf32>
    tpu.vector_store %arg9[%swap3A_52, %swap3A_53], %broadcast_in_dim3A_51 {strides = array<i32>} : memref<1000x8xf32, #tpu.memory_space<vmem>>, vector<1000x8xf32>,
    return
  }
  func.func @transform_0(%arg0: i32) -> (i32, i32) {
    %c0_i32 = arith.constant 0 : i32
    %c0_i32_0 = arith.constant 0 : i32
    return %arg0, %c0_i32 : i32, i32
  }
  func.func @transform_1(%arg0: i32) -> (i32, i32) {
    %c0_i32 = arith.constant 0 : i32
    %c0_i32_0 = arith.constant 0 : i32
    %c0_i32_1 = arith.constant 0 : i32
    return %c0_i32, %c0_i32_0 : i32, i32
  }
  func.func @transform_2(%arg0: i32) -> (i32, i32) {
    %c0_i32 = arith.constant 0 : i32
    %c0_i32_0 = arith.constant 0 : i32
    %c0_i32_1 = arith.constant 0 : i32
    return %c0_i32, %c0_i32_0 : i32, i32
  }
  func.func @transform_3(%arg0: i32) -> (i32, i32) {
    %c0_i32 = arith.constant 0 : i32
    %c0_i32_0 = arith.constant 0 : i32
    %c0_i32_1 = arith.constant 0 : i32
    return %c0_i32, %c0_i32_0 : i32, i32
  }
  func.func @transform_4(%arg0: i32) -> (i32, i32) {
    %c0_i32 = arith.constant 0 : i32
    %c0_i32_0 = arith.constant 0 : i32
    %c0_i32_1 = arith.constant 0 : i32
    return %c0_i32, %c0_i32_0 : i32, i32
  }
  func.func @transform_5(%arg0: i32) -> (i32, i32) {
    %c0_i32 = arith.constant 0 : i32
    %c0_i32_0 = arith.constant 0 : i32
    %c0_i32_1 = arith.constant 0 : i32
    return %c0_i32, %c0_i32_0 : i32, i32
  }
  func.func @transform_6(%arg0: i32) -> (i32, i32) {
    %c0_i32 = arith.constant 0 : i32
    %c0_i32_0 = arith.constant 0 : i32
    %c0_i32_1 = arith.constant 0 : i32
    return %c0_i32, %c0_i32_0 : i32, i32
  }
  func.func @transform_7(%arg0: i32) -> (i32, i32) {
    %c0_i32 = arith.constant 0 : i32
    %c0_i32_0 = arith.constant 0 : i32
    return %arg0, %c0_i32 : i32, i32
  }
  func.func @transform_8(%arg0: i32) -> (i32, i32) {
    %c0_i32 = arith.constant 0 : i32
    %c0_i32_0 = arith.constant 0 : i32
    return %arg0, %c0_i32 : i32, i32
  }
}

</mosaic_0001>

<sc_bundles>
// kernel: kernel.6.cloned.1.call-start
scs
__scs_entry_jumppad:
0x0: {  	(pc) =	sbr.rel $0x88, $3  }
0x1: {  	(tag) =	ssettag $0x0;
	lr =	simm.s32 $0x1  }
0x2: {  	[smem:$0x3F94] =	sst lr;
	_ =	strace $0xD0000000  }
0x3: {  	_ = 	snop  }
0x4: {  	_ = 	snop  }
0x5: {  	_ = 	snop  }
0x6: {  	_ = 	snop  }
0x7: {  	_ = 	snop  }
__scs_overlays_trampoline_lowered:
0x8: {  	[smem:$0x3FA3] =	sst s0  }
0x9: {  	[smem:$0x3FA4] =	sst s1  }
0xa: {  	[smem:$0x3FA5] =	sst s2  }
0xb: {  	[smem:$0x3FA6] =	sst s3  }
0xc: {  	[smem:$0x3FA7] =	sst s4  }
0xd: {  	[smem:$0x3FA8] =	sst s5  }
0xe: {  	[smem:$0x3FA9] =	sst s6  }
0xf: {  	[smem:$0x3FAA] =	sst s7  }
0x10: {  	[smem:$0x3FAB] =	sst s8  }
0x11: {  	[smem:$0x3FAC] =	sst s9;
	s0 =	simm.s32 @!p0 $0x0  }
0x12: {  	s1 =	sld [smem:$0x3F92];
	s0 =	simm.s32 @p0 $0x1  }
0x13: {  	[smem:$0x3FAD] =	sst s0;
	s0 =	simm.s32 @!p1 $0x0  }
0x14: {  	s2 =	sld [smem:$0x3F91];
	s0 =	simm.s32 @p1 $0x1  }
0x15: {  	[smem:$0x3FAE] =	sst s0;
	s0 =	simm.s32 @!p2 $0x0  }
0x16: {  	s3 =	sld [smem:$0x3FDB];
	s0 =	simm.s32 @p2 $0x1  }
0x17: {  	s4 =	simm.s32 $0x1BF5;
	[smem:$0x3FB0] =	sst s0  }
0x18: {  	s0 =	sld [smem:$0x3F93];
	_ =	swait.ge [sflag:s4], $0x0  }
0x19: {  	s7 =	sld [smem:$0x3F94]  }
0x1a: {  	s8 =	sadd.s32 $0xFFFFE003, lr  }
0x1b: {  	s9 =	sadd.s32 $0xFFFFFEF7, lr;
	s5 =	simm.s32 $0xFFFFFFFF;
	p2 =	slt.u32 s8, $0xFFFFF086  }
0x1c: {  	p1 =	slt.u32 s9, $0xF7A;
	s5 =	simm.s32 @!p2 $0x0  }
0x1d: {  	s5 =	simm.s32 @p1 $0x1;
	p0 =	seq.s32 s7, s2  }
0x1e: {  	s7 =	smul.u32 @!p0 $0xF7A, s2;
	p2 =	seq.s32 @!p0 s5, $0x0  }
0x1f: {  	s9 =	smul.u32 $0xF7A, s1;
	s8 =	simm.s32 @!p0 $0x1BF5;
	p2 =	por !p2, p0  }
0x20: {  	[sflag:s8] =	ssyncset.s32 @!p0 $0xFFFFF086;
	s6 =	sadd.s32 @!p0 s3, s7;
	s7 =	simm.s32 @!p0 $0x108  }
0x21: {  	s3 =	sadd.s32 s3, s9;
	s6 =	sadd.s32 @!p0 $0x88, s6;
	s7 =	simm.s32 @p2 $0x1082  }
0x22: {  	[simem:s7], [sflag:s8] =	dma.local @!p0 [hbm:s6], $0xF7A  }
0x23: {  	s9 =	sor.u32 $0xD0000000, s2;
	s6 =	simm.s32 $0x108;
	_ =	swait.ge @!p0 [sflag:s8], $0x0  }
0x24: {  	s3 =	sadd.s32 $0x88, s3;
	s6 =	simm.s32 @!p1 $0x1082;
	[sflag:s4] =	ssyncset.s32 $0xFFFFF086  }
0x25: {  	[simem:s6], [sflag:s4] =	dma.local [hbm:s3], $0xF7A  }
0x26: {  	[smem:$0x3F94] =	sst s1;
	(tag) =	ssettag s2;
	_ =	strace s9  }
0x27: {  	s1 =	sld [smem:$0x3FA4]  }
0x28: {  	s2 =	sld [smem:$0x3FA5]  }
0x29: {  	s4 =	sld [smem:$0x3FA7]  }
0x2a: {  	p0 =	seq.s32 s5, $0x0;
	s5 =	sld [smem:$0x3FA8]  }
0x2b: {  	s6 =	sld [smem:$0x3FA9]  }
0x2c: {  	s7 =	sld [smem:$0x3FAA]  }
0x2d: {  	s3 =	simm.s32 $0x108;
	s8 =	sld [smem:$0x3FAB]  }
0x2e: {  	s3 =	simm.s32 @!p0 $0x1082;
	s9 =	sld [smem:$0x3FAC]  }
0x2f: {  	lr =	sadd.s32 s0, s3;
	s0 =	sld [smem:$0x3FA3]  }
0x30: {  	s3 =	sld [smem:$0x3FA6]  }
0x31: {  	[smem:$0x3FAF] =	sst s10  }
0x32: {  	s10 =	sld [smem:$0x3FAD];
	_ =	sdelay $0x3  }
0x33: {  	p0 =	seq.s32 s10, $0x1;
	s10 =	sld [smem:$0x3FAF];
	_ =	sdelay $0x3  }
0x34: {  	[smem:$0x3FAF] =	sst s10  }
0x35: {  	s10 =	sld [smem:$0x3FAE];
	_ =	sdelay $0x3  }
0x36: {  	p1 =	seq.s32 s10, $0x1;
	s10 =	sld [smem:$0x3FAF];
	_ =	sdelay $0x3  }
0x37: {  	[smem:$0x3FAF] =	sst s10  }
0x38: {  	s10 =	sld [smem:$0x3FB0]  }
0x39: {  	_ = 	snop;
	(pc) =	sbr.ind lr, $3  }
0x3a: {  	_ = 	snop  }
0x3b: {  	_ = 	snop  }
0x3c: {  	p2 =	seq.s32 s10, $0x1;
	s10 =	sld [smem:$0x3FAF]  }
0x3d: {  	_ =	shalt  }
0x3e: {  	_ =	shalt  }
0x3f: {  	_ =	shalt  }
0x40: {  	_ =	shalt  }
0x41: {  	_ =	shalt  }
0x42: {  	_ =	shalt  }
0x43: {  	_ =	shalt  }
0x44: {  	_ =	shalt  }
0x45: {  	_ =	shalt  }
0x46: {  	_ =	shalt  }
0x47: {  	_ =	shalt  }
0x48: {  	_ =	shalt  }
0x49: {  	_ =	shalt  }
0x4a: {  	_ =	shalt  }
0x4b: {  	_ =	shalt  }
0x4c: {  	_ =	shalt  }
0x4d: {  	_ =	shalt  }
0x4e: {  	_ =	shalt  }
0x4f: {  	_ =	shalt  }
0x50: {  	_ =	shalt  }
0x51: {  	_ =	shalt  }
0x52: {  	_ =	shalt  }
0x53: {  	_ =	shalt  }
0x54: {  	_ =	shalt  }
0x55: {  	_ =	shalt  }
0x56: {  	_ =	shalt  }
0x57: {  	_ =	shalt  }
0x58: {  	_ =	shalt  }
0x59: {  	_ =	shalt  }
0x5a: {  	_ =	shalt  }
0x5b: {  	_ =	shalt  }
0x5c: {  	_ =	shalt  }
0x5d: {  	_ =	shalt  }
0x5e: {  	_ =	shalt  }
0x5f: {  	_ =	shalt  }
0x60: {  	_ =	shalt  }
0x61: {  	_ =	shalt  }
0x62: {  	_ =	shalt  }
0x63: {  	_ =	shalt  }
0x64: {  	_ =	shalt  }
0x65: {  	_ =	shalt  }
0x66: {  	_ =	shalt  }
0x67: {  	_ =	shalt  }
0x68: {  	_ =	shalt  }
0x69: {  	_ =	shalt  }
0x6a: {  	_ =	shalt  }
0x6b: {  	_ =	shalt  }
0x6c: {  	_ =	shalt  }
0x6d: {  	_ =	shalt  }
0x6e: {  	_ =	shalt  }
0x6f: {  	_ =	shalt  }
0x70: {  	_ =	shalt  }
0x71: {  	_ =	shalt  }
0x72: {  	_ =	shalt  }
0x73: {  	_ =	shalt  }
0x74: {  	_ =	shalt  }
0x75: {  	_ =	shalt  }
0x76: {  	_ =	shalt  }
0x77: {  	_ =	shalt  }
0x78: {  	_ =	shalt  }
0x79: {  	_ =	shalt  }
0x7a: {  	_ =	shalt  }
0x7b: {  	_ =	shalt  }
0x7c: {  	_ =	shalt  }
0x7d: {  	_ =	shalt  }
0x7e: {  	_ =	shalt  }
0x7f: {  	_ =	shalt  }
0x80: {  	_ =	shalt  }
0x81: {  	_ =	shalt  }
0x82: {  	_ =	shalt  }
0x83: {  	_ =	shalt  }
0x84: {  	_ =	shalt  }
0x85: {  	_ =	shalt  }
0x86: {  	_ =	shalt  }
0x87: {  	_ =	shalt  }
.Lfunc_end0:
.L_simem_size_0:
called_computation.1_lowered:
.L_overlay_start_0:
0x88: {  	s2 =	sld [smem:$0x3FD9]  }
0x89: {  	s3 =	sld [smem:$0x3FFE];
	_ =	sdelay $0x1  }
0x8a: {  	s1 =	srdreg.scid  }
0x8b: {  	s0 =	sand.u32 $0x1, s1  }
0x8c: {  	s14 =	sshll.u32 s0, $0xA;
	s2 =	sadd.s32 s3, s2  }
0x8d: {  	s2 =	sadd.s32 s2, s14  }
0x8e: {  	[smem:$0x3FBB] =	sst s2  }
0x8f: {  	_ = 	snop  }
0x90: {  	s2 =	sld [smem:$0x3FD0];
	_ =	sdelay $0x2  }
0x91: {  	s15 =	simm.s32 $0xA;
	s4 =	simm.s32 $0x10  }
0x92: {  	[smem:s4], [sflag:s15] =	dma.local [hbm:s2], $0x1  }
0x93: {  	_ =	swait.eq [sflag:s15], $0x1  }
0x94: {  	[sflag:s15] =	ssyncset.done $0x0  }
0x95: {  	[sflag:s15] =	ssyncadd.s32 $0xFFFFFFFF  }
0x96: {  	s16 =	sld [smem:$0x10];
	(tm) =	ssettm $0x1  }
0x97: {  	s17 =	sld [smem:$0x3FFB];
	_ =	sdelay $0x3  }
0x98: {  	_ =	strace s17  }
0x99: {  	s3 =	sld [smem:$0x3FFC];
	_ =	sdelay $0x3  }
0x9a: {  	_ =	strace s3  }
0x9b: {  	s3 =	sld [smem:$0x3FFD];
	_ =	sdelay $0x3  }
0x9c: {  	_ =	strace s3  }
0x9d: {  	_ =	strace $0x8FFFFFFF  }
0x9e: {  	s18 =	sld [smem:$0x3FDB];
	_ =	sdelay $0x1  }
0x9f: {  	s19 =	simm.s32 $_scs_section_size  }
0xa0: {  	s5 =	simm.s32 $_size__tile_overlayer_lowered;
	s6 =	simm.s32 $_tile_overlayer_lowered  }
0xa1: {  	s22 =	simm.s32 $0x1BFF;
	s21 =	sshll.u32 s6, $0x1;
	s3 =	sadd.s32 s19, s18  }
0xa2: {  	s7 =	simm.s32 $0x0;
	s20 =	sshll.u32 s5, $0x1;
	s5 =	sadd.s32 s21, s3  }
0xa3: {  	[timem:s7], [sflag:s22] =	dma.local [hbm:s5], s20  }
0xa4: {  	_ =	swait.ge [sflag:s22], s20  }
0xa5: {  	s4 =	ssub.s32 $0x0, s20;
	[sflag:s22] =	ssyncset.done $0x0  }
0xa6: {  	[sflag:s22] =	ssyncadd.s32 s4;
	_ =	sdelay $0x1  }
0xa7: {  	s23 =	simm.s32 $0x1B8B  }
0xa8: {  	_ =	swait.ge [sflag:s23], $0x1  }
0xa9: {  	[sflag:s23] =	ssyncset.done $0x0  }
0xaa: {  	s25 =	simm.s32 $0x1B8E;
	s24 =	sld [smem:$0x3FFE];
	[sflag:s23] =	ssyncadd.s32 $0xFFFFFFFF  }
0xab: {  	s26 =	simm.s32 $execute0_lowered;
	[smem:$0x3FD2] =	sst s25  }
0xac: {  	s5 =	sshll.u32 s26, $0x1;
	_ =	strace $0x80000049;
	[dreg:$0x1] =	wrdreg $0xFFFFFFFF  }
0xad: {  	s28 =	simm.s32 $_size_execute0_lowered;
	s3 =	sadd.s32 s3, s5;
	[dreg:$0x0] =	wrdreg $0x0  }
0xae: {  	s5 =	sshll.u32 s28, $0x1;
	[dreg:$0x2] =	wrdreg s3  }
0xaf: {  	[dreg:$0x3] =	wrdreg s5  }
0xb0: {  	[dreg:$0x4] =	wrdreg $0xC0  }
0xb1: {  	_ =	task [dreg:s7], $0x5FFFF  }
0xb2: {  	[dreg:$0x1] =	wrdreg $0xFFFFFFFF  }
0xb3: {  	[dreg:$0x0] =	wrdreg $0x60  }
0xb4: {  	[dreg:$0x2] =	wrdreg s24  }
0xb5: {  	[dreg:$0x3] =	wrdreg s16  }
0xb6: {  	[dreg:$0x4] =	wrdreg $0x9  }
0xb7: {  	_ =	task.clear_ibuf [dreg:s7], $0x5FFFF;
	_ =	strace $0x90000049  }
0xb8: {  	s29 =	simm.s32 $0x9;
	_ =	strace $0x8000004B  }
0xb9: {  	_ =	swait.ge [sflag:s29], $0x1  }
0xba: {  	[sflag:s29] =	ssyncadd.s32 $0xFFFFFFFF  }
0xbb: {  	_ =	strace $0x9000004B  }
0xbc: {  	_ =	sfence  }
0xbd: {  	s30 =	sld [smem:$0x0];
	_ =	sdelay $0x2  }
0xbe: {  	s31 =	sshll.u32 s1, $0xD;
	s1 =	sshrl.u32 s1, $0x2  }
0xbf: {  	s3 =	sand.u32 $0x4000, s31;
	s1 =	sadd.s32 s1, s30  }
0xc0: {  	s0 =	sor.u32 s3, s0;
	s1 =	sshll.u32 s1, $0x11  }
0xc1: {  	s0 =	sor.u32 s1, s0  }
0xc2: {  	s0 =	sadd.s32 $0x8F2B, s0  }
0xc3: {  	[sflag:s0] =	ssyncadd.remote.s32 $0x1  }
0xc4: {  	_ =	sfence.sel $0xFFFF  }
0xc5: {  	[dreg:$0x0] =	wrdreg $0xFFFFFFFF;
	(pc) =	sbr.abs _section_cstart, $3  }
0xc6: {  	[dreg:$0x1] =	wrdreg $0xFFFFFFFF  }
0xc7: {  	_ =	task.clear_ibuf [dreg:s7], $0x2FFFF;
	_ =	strace $0x9FFFFFFF  }
0xc8: {  	(tm) =	ssettm $0x7FFFFFFF  }
0xc9: {  	_ =	shalt  }
tec
execute0_lowered:
.L_overlay_start_1:
0x0: {  	(tag) =	ssettag $0x1  }
0x1: {  	v2 =	vlaneseq.u32;
	v0 =	vimm.s32 $0xFFAA55;
	v5 =	vimm.s32 $0x3210FEDC  }
0x2: {  	v7 =	vimm.s32 $0xFEDCBA98;
	v8 =	vimm.s32 $0xAA5500FF;
	v10 =	vimm.s32 $0x76543210  }
0x3: {  	vm0 =	vcmask $0x3F30;
	vm1 =	vcmask $0x3F20;
	vm2 =	vcmask $0x3F10  }
0x4: {  	vm5 =	vcmask $0xF00;
	vm3 =	vcmask $0x1F10;
	v13 =	vimm.s32 $0x6  }
0x5: {  	vm4 =	vcmask $0x2F20;
	v15 =	vimm.s32 $0x8;
	v16 =	vimm.s32 $0x9  }
0x6: {  	v17 =	vimm.s32 $0xA;
	v19 =	vimm.s32 $0xC;
	v20 =	vimm.s32 $0xD  }
0x7: {  	v21 =	vimm.s32 $0xE;
	v9 =	vand.u32 $0x3, v2;
	v0 =	vunpack.c.l.s2.s4 v0  }
0x8: {  	v2 =	vshrl.u32 v2, $0x2;
	v7 =	vunpack.c.l.s4.s8 v7;
	v8 =	vunpack.c.l.s2.s4 v8  }
0x9: {  	v10 =	vunpack.c.l.s4.s8 v10;
	v13 =	vsel vm5, $0x7, v13;
	v15 =	vsel vm5, $0x9, v15  }
0xa: {  	v16 =	vsel vm5, $0xA, v16;
	v17 =	vsel vm5, $0xB, v17;
	v19 =	vsel vm5, $0xD, v19  }
0xb: {  	v20 =	vsel vm5, $0xE, v20;
	v21 =	vsel vm5, $0xF, v21;
	v3 =	vmul.u32 $0x80, v9  }
0xc: {  	s0 =	stileid.u32;
	v9 =	vmul.u32 $0x2800, v9;
	v13 =	vsel vm3, $0x4, v13;
	v14 =	vor.u32 $0x8, v2  }
0xd: {  	s1 =	sshll.u32 s0, $0x2;
	v15 =	vsel vm3, $0xA, v15;
	v16 =	vsel vm3, $0xB, v16;
	v17 =	vsel vm3, $0x8, v17  }
0xe: {  	s1 =	sand.u32 $0x4, s1;
	v18 =	vor.u32 $0xC, v2;
	v19 =	vsel vm3, $0xE, v19;
	v20 =	vsel vm3, $0xF, v20  }
0xf: {  	v21 =	vsel vm3, $0xC, v21;
	v1 =	vmov s1;
	v4 =	vunpack.c.l.s4.s8 v0  }
0x10: {  	v10 =	vunpack.c.0.s8.s32 v10;
	v13 =	vsel vm4, $0x5, v13;
	v1 =	vshll.u32 v1, $0x7  }
0x11: {  	v15 =	vsel vm4, $0xB, v15;
	v0 =	vor.u32 v3, v1;
	v3 =	vunpack.c.l.s4.s8 v5  }
0x12: {  	v16 =	vsel vm4, $0x8, v16;
	v17 =	vsel vm4, $0x9, v17;
	v5 =	vimm.s32 $0xBA987654  }
0x13: {  	v19 =	vsel vm4, $0xF, v19;
	v6 =	vunpack.c.0.s8.s32 v3;
	v3 =	vunpack.c.l.s4.s8 v5  }
0x14: {  	s5 =	rddreg [dreg:$0x0];
	v20 =	vsel vm4, $0xC, v20;
	v4 =	vunpack.c.0.s8.s32 v4;
	v5 =	vimm.s32 $0x5500FFAA  }
0x15: {  	s8 =	rddreg [dreg:$0x1];
	s2 =	simm.s32 $0x0;
	v21 =	vsel vm4, $0xD, v21;
	v5 =	vunpack.c.l.s2.s4 v5;
	v11 =	vunpack.c.0.s8.s32 v3  }
0x16: {  	s4 =	srdreg.scid;
	[smem:$0x7FF] =	sst s2;
	s3 =	sadd.s32 $0x9C6800, s5;
	v3 =	vand.u32 $0x3, v4;
	v4 =	vunpack.c.0.s8.s32 v7;
	v7 =	vunpack.c.l.s4.s8 v8  }
0x17: {  	s6 =	sand.u32 $0x1, s4;
	s4 =	sadd.s32 $0x4E4800, s5;
	s10 =	sadd.s32 $0x755800, s5;
	v1 =	vimm.s32 $0xFF80FF80;
	v5 =	vunpack.c.l.s4.s8 v5;
	v8 =	vcombine.low v11, v6  }
0x18: {  	s31 =	sshrl.u32 s0, $0x1;
	s12 =	smul.u32 $0x1400, s0;
	s7 =	ssub.s32 $0x2, s6;
	v12 =	vand.u32 $0xF, v4;
	v7 =	vunpack.c.0.s8.s32 v7;
	v11 =	vcombine.low v6, v11  }
0x19: {  	s9 =	sxor.u32 $0x1, s6;
	p0 =	seq.s32 s6, $0x1;
	s6 =	smul.u32 $0x271000, s31;
	v5 =	vunpack.c.0.s8.s32 v5;
	v6 =	vcombine.low v12, v10;
	v12 =	vimm.s32 $0x5  }
0x1a: {  	s1 =	rddreg [dreg:$0x2];
	_ =	strace $0x8000004A;
	s11 =	sshrl.u32 s7, $0x1;
	v4 =	vand.u32 $0xF, v8;
	v8 =	vand.u32 $0xF, v11;
	v11 =	vimm.s32 $0x4  }
0x1b: {  	s5 =	smul.u32 $0x4E200, s9;
	s8 =	smov.u32 @p0 s10;
	s9 =	simm.s32 $0x1;
	v10 =	vor.u32 $0x4, v2;
	v12 =	vsel vm5, $0x6, v12;
	v11 =	vsel vm5, $0x5, v11  }
0x1c: {  	s10 =	simm.s32 $0x14C80;
	s7 =	ssub.s32 s7, s11;
	s8 =	sadd.s32 s8, s12;
	v7 =	vand.u32 $0x3, v7;
	v12 =	vsel vm3, $0x7, v12;
	v11 =	vsel vm3, $0x6, v11  }
0x1d: {  	s11 =	simm.s32 $0xA000;
	s12 =	simm.s32 $0x0;
	s7 =	smax.u32 s7, $0x1;
	v5 =	vand.u32 $0x3, v5;
	v12 =	vsel vm4, $0x4, v12;
	v11 =	vsel vm4, $0x7, v11  }
.LBB2_1:
0x1e: {  	s13 =	simm.s32 $0x0;
	s14 =	simm.s32 $0x200  }
.LBB2_2:
0x1f: {  	p0 =	sne.s32 s14, $0x27E00;
	[tilespmem:s13+$0xA070] =	vst v1  }
0x20: {  	[tilespmem:s13+$0x0] =	vst v1  }
0x21: {  	[tilespmem:s13+$0xA000] =	vst v1  }
0x22: {  	[tilespmem:s13+$0x10] =	vst v1  }
0x23: {  	[tilespmem:s13+$0xA010] =	vst v1  }
0x24: {  	[tilespmem:s13+$0x20] =	vst v1  }
0x25: {  	[tilespmem:s13+$0xA020] =	vst v1  }
0x26: {  	[tilespmem:s13+$0x30] =	vst v1  }
0x27: {  	[tilespmem:s13+$0xA030] =	vst v1  }
0x28: {  	[tilespmem:s13+$0x40] =	vst v1  }
0x29: {  	[tilespmem:s13+$0xA040] =	vst v1  }
.Ltmp0:
0x2a: {  	[tilespmem:s13+$0x50] =	vst v1;
	(pc) =	sbr.rel @p0 .LBB2_2-.Ltmp0, $4  }
0x2b: {  	[tilespmem:s13+$0xA050] =	vst v1  }
0x2c: {  	[tilespmem:s13+$0x60] =	vst v1  }
0x2d: {  	[tilespmem:s13+$0xA060] =	vst v1  }
0x2e: {  	[tilespmem:s13+$0x70] =	vst v1;
	s13 =	sshra.s32 s14, $0x2;
	s14 =	sadd.s32 $0x200, s14  }
0x2f: {  	[tilespmem:s13+$0xA070] =	vst v1  }
0x30: {  	[tilespmem:s13+$0x0] =	vst v1  }
0x31: {  	[tilespmem:s13+$0xA000] =	vst v1  }
0x32: {  	[tilespmem:s13+$0x10] =	vst v1  }
0x33: {  	[tilespmem:s13+$0xA010] =	vst v1  }
0x34: {  	[tilespmem:s13+$0x20] =	vst v1  }
0x35: {  	[tilespmem:s13+$0xA020] =	vst v1  }
0x36: {  	[tilespmem:s13+$0x30] =	vst v1  }
0x37: {  	[tilespmem:s13+$0xA030] =	vst v1  }
0x38: {  	[tilespmem:s13+$0x40] =	vst v1  }
0x39: {  	[tilespmem:s13+$0xA040] =	vst v1  }
0x3a: {  	[tilespmem:s13+$0x50] =	vst v1  }
0x3b: {  	[tilespmem:s13+$0xA050] =	vst v1  }
0x3c: {  	[tilespmem:s13+$0x60] =	vst v1  }
0x3d: {  	[tilespmem:s13+$0xA060] =	vst v1  }
0x3e: {  	[tilespmem:s13+$0x70] =	vst v1;
	s13 =	simm.s32 $0x0  }
.LBB2_4:
0x3f: {  	s14 =	smul.u32 $0xC80, s13;
	_ =	sdelay $0x1  }
0x40: {  	s14 =	sadd.s32 s5, s14  }
0x41: {  	s14 =	sshrl.u32 s14, $0x3  }
0x42: {  	s16 =	smul.u32 $0x6400, s13;
	s15 =	sadd.s32 s3, s14;
	s14 =	simm.s32 $0x14000  }
0x43: {  	[tilespmem:s14], [sflag:$0x1] =	stream.linear.gather [hbm4b:s15+s2], $0xC80, $0x38;
	[tilespmem:$0x1B080] =	vst v63  }
0x44: {  	s28 =	simm.s32 $0x0;
	s26 =	sadd.s32 s6, s16;
	_ =	swait.ge [sflag:s9], $0xC80  }
0x45: {  	v22 =	vmov s28;
	s15 =	sshrl.u32 s26, $0x3;
	[sflag:s9] =	ssyncset.done $0x0  }
0x46: {  	v23 =	vor.u32 s28, v2;
	v22 =	vshll.u32 v22, $0x3;
	s15 =	sadd.s32 s4, s15;
	[sflag:s9] =	ssyncadd.s32 $0xFFFFF380  }
0x47: {  	v23 =	vand.u32 $0x73, v23;
	v22 =	vand.u32 $0x7C00, v22;
	[tilespmem:s10], [sflag:$0x1] =	stream.linear.gather [hbm4b:s15+s2], $0x6400, $0x38;
	[tilespmem:$0x1B080] =	vst v63  }
0x48: {  	v22 =	vor.u32 v22, v23;
	_ =	swait.ge [sflag:s9], $0x6400  }
0x49: {  	v23 =	vor.u32 v0, v22;
	[sflag:s9] =	ssyncset.done $0x0  }
0x4a: {  	[sflag:s9] =	ssyncadd.s32 $0xFFFF9C00  }
0x4b: {  	v22 =	vld [tilespmem:s14+$0x0];
	_ =	sdelay $0x2  }
0x4c: {  	v23 =	vld.idx.msk [tilespmem:v23+s10+$0x0], $0xffff  }
0x4d: {  	s29 =	simm.s32 $0x4  }
0x4e: {  	v24 =	vmov s29;
	v25 =	vperm.xlane v22, v2  }
0x4f: {  	v26 =	vor.u32 s29, v2;
	v27 =	vperm.xlane v22, v3;
	v28 =	vperm.xlane v22, v5  }
0x50: {  	v24 =	vshll.u32 v24, $0x3;
	v29 =	vperm.xlane v22, v7;
	v30 =	vadd.s32 v9, v25  }
0x51: {  	vm3 =	veq.s32 v25, v27;
	v27 =	vperm.xlane v23, v4;
	vm4 =	veq.s32 v25, v28  }
0x52: {  	vm5 =	veq.s32 v25, v29;
	vm6 =	vmand vm3, vm0;
	vm7 =	vmand vm4, vm1  }
0x53: {  	v25 =	vand.u32 $0x77, v26;
	vm9 =	vmand vm5, vm2;
	vm6 =	vmor vm6, vm7  }
0x54: {  	v26 =	vmax.bf16 v23, v27;
	v27 =	vperm.xlane v23, v6;
	vm6 =	vmor vm6, vm9  }
0x55: {  	v24 =	vand.u32 $0x7C00, v24;
	v26 =	vsel vm3, v26, v23;
	vm3 =	vmneg vm6;
	v28 =	vld.idx.msk [tilespmem:v30+s2+$0x0], $0xffff  }
0x56: {  	v24 =	vor.u32 v24, v25;
	v23 =	vperm.xlane v23, v8;
	v25 =	vmax.bf16 v26, v27  }
0x57: {  	v24 =	vor.u32 v0, v24;
	v25 =	vsel vm4, v25, v26  }
0x58: {  	v23 =	vmax.bf16 v25, v23  }
0x59: {  	v23 =	vsel vm5, v23, v25  }
0x5a: {  	v23 =	vmax.bf16 v28, v23  }
0x5b: {  	[tilespmem:v30+s2+$0x0] =	vst.idx.msk vm3, v23  }
0x5c: {  	v26 =	vperm.xlane v22, v12;
	v25 =	vperm.xlane v22, v10;
	v24 =	vld.idx.msk [tilespmem:v24+s10+$0x0], $0xffff  }
0x5d: {  	v23 =	vperm.xlane v22, v11  }
0x5e: {  	s30 =	simm.s32 $0x8;
	v27 =	vadd.s32 v9, v25;
	vm3 =	veq.s32 v25, v26  }
0x5f: {  	v26 =	vmov s30;
	vm10 =	veq.s32 v25, v23;
	v23 =	vperm.xlane v22, v13  }
0x60: {  	v28 =	vor.u32 s30, v2;
	vm11 =	vmand vm3, vm1;
	v26 =	vshll.u32 v26, $0x3  }
0x61: {  	vm12 =	vmand vm10, vm0;
	vm13 =	veq.s32 v25, v23;
	v29 =	vperm.xlane v24, v4  }
0x62: {  	vm5 =	vmor vm12, vm11;
	v25 =	vand.u32 $0x7B, v28;
	vm14 =	vmand vm13, vm2  }
0x63: {  	v23 =	vperm.xlane v24, v6;
	vm5 =	vmor vm5, vm14;
	v28 =	vmax.bf16 v24, v29  }
0x64: {  	v26 =	vand.u32 $0x7C00, v26;
	vm15 =	vmneg vm5;
	v29 =	vld.idx.msk [tilespmem:v27+s11+$0x0], $0xffff;
	v28 =	vsel vm10, v28, v24  }
0x65: {  	v25 =	vor.u32 v26, v25;
	v26 =	vperm.xlane v24, v8;
	v23 =	vmax.bf16 v28, v23  }
0x66: {  	v30 =	vor.u32 v0, v25;
	v23 =	vsel vm3, v23, v28  }
0x67: {  	v31 =	vperm.xlane v22, v16;
	v28 =	vmax.bf16 v23, v26  }
0x68: {  	s31 =	simm.s32 $0x10;
	v25 =	vperm.xlane v22, v17;
	v24 =	vperm.xlane v22, v14;
	v28 =	vsel vm13, v28, v23  }
0x69: {  	v26 =	vperm.xlane v22, v15;
	v28 =	vmax.bf16 v29, v28;
	v29 =	vmov s31  }
0x6a: {  	v23 =	vperm.xlane v22, v18;
	[tilespmem:v27+s11+$0x0] =	vst.idx.msk vm15, v28;
	v27 =	vor.u32 s31, v2;
	v32 =	vshll.u32 v29, $0x3  }
0x6b: {  	s17 =	simm.s32 $0x2C;
	s16 =	simm.s32 $0xC;
	s15 =	simm.s32 $0x1C;
	v28 =	vld.idx.msk [tilespmem:v30+s10+$0x0], $0xffff;
	v29 =	vand.u32 $0x73, v27;
	v30 =	vand.u32 $0x7C00, v32;
	v27 =	vadd.s32 v9, v24  }
.LBB2_5:
0x6c: {  	p0 =	sne.s32 s17, $0xC7C  }
0x6d: {  	v29 =	vor.u32 v30, v29;
	s14 =	sadd.s32 $0x10, s14;
	s18 =	smov.u32 s17;
	s17 =	sadd.s32 $0x10, s17  }
0x6e: {  	vm4 =	veq.s32 v24, v26;
	vm5 =	veq.s32 v24, v31;
	v29 =	vor.u32 v0, v29  }
0x6f: {  	vm3 =	veq.s32 v24, v25;
	vm6 =	vmand vm4, vm0;
	vm7 =	vmand vm5, vm1  }
0x70: {  	v24 =	vperm.xlane v28, v4;
	v25 =	vperm.xlane v28, v6;
	vm6 =	vmor vm6, vm7  }
0x71: {  	v30 =	vmov s16;
	v31 =	vor.u32 s16, v2;
	s16 =	smov.u32 s15;
	s15 =	smov.u32 s18;
	vm7 =	vmand vm3, vm2;
	v26 =	vld.idx.msk [tilespmem:v27+s2+$0x0], $0xffff  }
0x72: {  	v30 =	vshll.u32 v30, $0x3;
	vm6 =	vmor vm6, vm7;
	v24 =	vmax.bf16 v28, v24  }
0x73: {  	v24 =	vsel vm4, v24, v28;
	v28 =	vperm.xlane v28, v8;
	vm4 =	vmneg vm6  }
0x74: {  	v31 =	vand.u32 $0x7F, v31;
	v30 =	vand.u32 $0x7C00, v30;
	v25 =	vmax.bf16 v24, v25  }
0x75: {  	v24 =	vsel vm5, v25, v24;
	v25 =	vor.u32 v30, v31  }
0x76: {  	v30 =	vadd.s32 v9, v23;
	v28 =	vmax.bf16 v24, v28;
	v25 =	vor.u32 v0, v25  }
0x77: {  	v24 =	vsel vm3, v28, v24  }
0x78: {  	v24 =	vmax.bf16 v26, v24  }
0x79: {  	[tilespmem:v27+s2+$0x0] =	vst.idx.msk vm4, v24;
	_ =	sdelay $0x1  }
0x7a: {  	v24 =	vld.idx.msk [tilespmem:v25+s10+$0x0], $0xffff  }
0x7b: {  	v25 =	vperm.xlane v22, v21;
	v26 =	vld.idx.msk [tilespmem:v30+s11+$0x0], $0xffff  }
0x7c: {  	v27 =	vperm.xlane v22, v19;
	v22 =	vperm.xlane v22, v20;
	_ =	sdelay $0x1  }
0x7d: {  	vm3 =	veq.s32 v23, v27;
	vm4 =	veq.s32 v23, v22;
	vm5 =	veq.s32 v23, v25  }
0x7e: {  	vm6 =	vmand vm3, vm0;
	vm7 =	vmand vm4, vm1  }
0x7f: {  	vm6 =	vmor vm6, vm7;
	vm7 =	vmand vm5, vm2;
	v22 =	vperm.xlane v24, v4  }
0x80: {  	vm6 =	vmor vm6, vm7  }
0x81: {  	v23 =	vperm.xlane v24, v6;
	vm6 =	vmneg vm6;
	v22 =	vmax.bf16 v24, v22  }
0x82: {  	v22 =	vsel vm3, v22, v24  }
0x83: {  	s18 =	sadd.s32 $0xFFFFFFF8, s16;
	v24 =	vperm.xlane v24, v8;
	v23 =	vmax.bf16 v22, v23  }
0x84: {  	v25 =	vmov s18;
	v22 =	vsel vm4, v23, v22  }
0x85: {  	v25 =	vshll.u32 v25, $0x3;
	v23 =	vor.u32 s18, v2;
	v24 =	vmax.bf16 v22, v24  }
0x86: {  	v23 =	vand.u32 $0x77, v23;
	v22 =	vsel vm5, v24, v22  }
0x87: {  	v24 =	vand.u32 $0x7C00, v25;
	v22 =	vmax.bf16 v26, v22  }
0x88: {  	v23 =	vor.u32 v24, v23;
	[tilespmem:v30+s11+$0x0] =	vst.idx.msk vm6, v22  }
0x89: {  	v27 =	vor.u32 v0, v23;
	v22 =	vld [tilespmem:s14+$0x0]  }
0x8a: {  	v23 =	vld.idx.msk [tilespmem:v29+s10+$0x0], $0xffff;
	_ =	sdelay $0x3  }
0x8b: {  	v24 =	vperm.xlane v22, v2;
	v25 =	vperm.xlane v22, v3  }
0x8c: {  	v26 =	vperm.xlane v22, v5;
	v28 =	vperm.xlane v22, v7  }
0x8d: {  	vm3 =	veq.s32 v24, v25;
	v25 =	vperm.xlane v23, v4;
	v29 =	vadd.s32 v9, v24  }
0x8e: {  	vm4 =	veq.s32 v24, v26;
	vm5 =	veq.s32 v24, v28;
	vm6 =	vmand vm3, vm0  }
0x8f: {  	vm7 =	vmand vm4, vm1;
	v24 =	vmax.bf16 v23, v25;
	v25 =	vperm.xlane v23, v6  }
0x90: {  	v24 =	vsel vm3, v24, v23;
	vm3 =	vmor vm6, vm7;
	vm6 =	vmand vm5, vm2  }
0x91: {  	v23 =	vperm.xlane v23, v8;
	v25 =	vmax.bf16 v24, v25;
	vm3 =	vmor vm3, vm6  }
0x92: {  	v30 =	vperm.xlane v22, v10;
	v24 =	vsel vm4, v25, v24;
	v28 =	vld.idx.msk [tilespmem:v29+s2+$0x0], $0xffff;
	v25 =	vperm.xlane v22, v11  }
0x93: {  	v26 =	vperm.xlane v22, v12;
	vm6 =	vmneg vm3;
	v23 =	vmax.bf16 v24, v23  }
0x94: {  	v31 =	vsel vm5, v23, v24;
	vm4 =	veq.s32 v30, v25;
	v24 =	vperm.xlane v22, v14  }
0x95: {  	vm3 =	veq.s32 v30, v26;
	v26 =	vperm.xlane v22, v15;
	v25 =	vperm.xlane v22, v17  }
0x96: {  	vm5 =	vmand vm3, vm1;
	v23 =	vperm.xlane v22, v18;
	_ =	sdelay $0x1  }
0x97: {  	v28 =	vmax.bf16 v28, v31  }
0x98: {  	[tilespmem:v29+s2+$0x0] =	vst.idx.msk vm6, v28  }
0x99: {  	v27 =	vld.idx.msk [tilespmem:v27+s10+$0x0], $0xffff;
	_ =	sdelay $0x2  }
0x9a: {  	v28 =	vadd.s32 v9, v30  }
0x9b: {  	s18 =	sadd.s32 $0xFFFFFFFC, s16;
	v29 =	vperm.xlane v22, v13;
	vm6 =	vmand vm4, vm0  }
0x9c: {  	v32 =	vor.u32 s18, v2;
	v31 =	vmov s18;
	vm5 =	vmor vm6, vm5  }
0x9d: {  	vm6 =	veq.s32 v30, v29;
	v33 =	vperm.xlane v27, v4;
	v34 =	vperm.xlane v27, v6  }
0x9e: {  	v29 =	vand.u32 $0x7B, v32;
	v30 =	vshll.u32 v31, $0x3;
	vm7 =	vmand vm6, vm2  }
0x9f: {  	v30 =	vand.u32 $0x7C00, v30;
	vm5 =	vmor vm5, vm7;
	v31 =	vmax.bf16 v27, v33;
	v32 =	vld.idx.msk [tilespmem:v28+s11+$0x0], $0xffff  }
0xa0: {  	v29 =	vor.u32 v30, v29;
	v31 =	vsel vm4, v31, v27;
	vm4 =	vmneg vm5  }
0xa1: {  	v29 =	vor.u32 v0, v29;
	v27 =	vperm.xlane v27, v8;
	v30 =	vmax.bf16 v31, v34  }
0xa2: {  	v30 =	vsel vm3, v30, v31  }
0xa3: {  	v27 =	vmax.bf16 v30, v27  }
0xa4: {  	v27 =	vsel vm6, v27, v30  }
.Ltmp1:
0xa5: {  	v27 =	vmax.bf16 v32, v27;
	(pc) =	sbr.rel @p0 .LBB2_5-.Ltmp1, $4  }
0xa6: {  	s18 =	sadd.s32 $0xFFFFFFF4, s15;
	[tilespmem:v28+s11+$0x0] =	vst.idx.msk vm4, v27  }
0xa7: {  	v30 =	vor.u32 s18, v2;
	v27 =	vmov s18;
	v28 =	vld.idx.msk [tilespmem:v29+s10+$0x0], $0xffff  }
0xa8: {  	v31 =	vperm.xlane v22, v16;
	v27 =	vshll.u32 v27, $0x3  }
0xa9: {  	v29 =	vand.u32 $0x73, v30;
	v30 =	vand.u32 $0x7C00, v27;
	v27 =	vadd.s32 v9, v24  }
0xaa: {  	vm3 =	veq.s32 v24, v26;
	vm4 =	veq.s32 v24, v31;
	vm5 =	veq.s32 v24, v25  }
0xab: {  	v47 =	vmov s16;
	v48 =	vor.u32 s16, v2;
	vm6 =	vmand vm3, vm0  }
0xac: {  	vm7 =	vmand vm4, vm1;
	vm10 =	vmand vm5, vm2;
	v45 =	vperm.xlane v28, v4  }
0xad: {  	v26 =	vshll.u32 v47, $0x3;
	v31 =	vand.u32 $0x7F, v48;
	vm6 =	vmor vm6, vm7  }
0xae: {  	v46 =	vperm.xlane v28, v6;
	vm6 =	vmor vm6, vm10;
	v24 =	vmax.bf16 v28, v45  }
0xaf: {  	v32 =	vld.idx.msk [tilespmem:v27+s2+$0x0], $0xffff;
	v26 =	vand.u32 $0x7C00, v26;
	v24 =	vsel vm3, v24, v28;
	vm3 =	vmneg vm6  }
0xb0: {  	v49 =	vperm.xlane v28, v8;
	v26 =	vor.u32 v26, v31;
	v25 =	vmax.bf16 v24, v46  }
0xb1: {  	v50 =	vor.u32 v0, v26;
	v24 =	vsel vm4, v25, v24  }
0xb2: {  	v51 =	vmax.bf16 v24, v49  }
0xb3: {  	v24 =	vsel vm5, v51, v24  }
0xb4: {  	v24 =	vmax.bf16 v32, v24  }
0xb5: {  	[tilespmem:v27+s2+$0x0] =	vst.idx.msk vm3, v24  }
0xb6: {  	v24 =	vld.idx.msk [tilespmem:v50+s10+$0x0], $0xffff  }
0xb7: {  	v52 =	vperm.xlane v22, v21  }
0xb8: {  	v53 =	vperm.xlane v22, v19;
	v22 =	vperm.xlane v22, v20  }
0xb9: {  	v54 =	vadd.s32 v9, v23  }
0xba: {  	vm11 =	veq.s32 v23, v22;
	vm12 =	veq.s32 v23, v52;
	vm3 =	veq.s32 v23, v53  }
0xbb: {  	vm14 =	vmand vm11, vm1;
	vm13 =	vmand vm3, vm0;
	v22 =	vperm.xlane v24, v4  }
0xbc: {  	vm15 =	vmand vm12, vm2;
	vm6 =	vmor vm13, vm14  }
0xbd: {  	vm6 =	vmor vm6, vm15;
	v23 =	vperm.xlane v24, v6;
	v22 =	vmax.bf16 v24, v22  }
0xbe: {  	v55 =	vld.idx.msk [tilespmem:v54+s11+$0x0], $0xffff;
	vm6 =	vmneg vm6;
	v22 =	vsel vm3, v22, v24  }
0xbf: {  	v24 =	vperm.xlane v24, v8;
	v23 =	vmax.bf16 v22, v23  }
0xc0: {  	v22 =	vsel vm11, v23, v22  }
0xc1: {  	v23 =	vmax.bf16 v22, v24  }
0xc2: {  	v56 =	vor.u32 v30, v29;
	v22 =	vsel vm12, v23, v22  }
0xc3: {  	v23 =	vor.u32 v0, v56;
	v22 =	vmax.bf16 v55, v22  }
0xc4: {  	s14 =	sadd.s32 $0x10, s14;
	[tilespmem:v54+s11+$0x0] =	vst.idx.msk vm6, v22  }
0xc5: {  	v22 =	vld [tilespmem:s14+$0x0];
	_ =	sdelay $0x2  }
0xc6: {  	v23 =	vld.idx.msk [tilespmem:v23+s10+$0x0], $0xffff  }
0xc7: {  	s30 =	sadd.s32 $0xFFFFFFF8, s15  }
0xc8: {  	v57 =	vmov s30;
	v58 =	vperm.xlane v22, v2  }
0xc9: {  	v59 =	vor.u32 s30, v2;
	v60 =	vperm.xlane v22, v3;
	v61 =	vperm.xlane v22, v5  }
0xca: {  	v32 =	vand.u32 $0x77, v59;
	v62 =	vperm.xlane v22, v7;
	v63 =	vadd.s32 v9, v58  }
0xcb: {  	vm3 =	veq.s32 v58, v60;
	v31 =	vperm.xlane v23, v4;
	vm9 =	veq.s32 v58, v61  }
0xcc: {  	vm10 =	veq.s32 v58, v62;
	vm11 =	vmand vm3, vm0;
	vm12 =	vmand vm9, vm1  }
0xcd: {  	v24 =	vshll.u32 v57, $0x3;
	vm13 =	vmand vm10, vm2;
	vm6 =	vmor vm11, vm12  }
0xce: {  	v34 =	vperm.xlane v23, v6;
	v33 =	vmax.bf16 v23, v31;
	vm6 =	vmor vm6, vm13  }
0xcf: {  	v24 =	vand.u32 $0x7C00, v24;
	v26 =	vsel vm3, v33, v23;
	vm3 =	vmneg vm6;
	v35 =	vld.idx.msk [tilespmem:v63+s2+$0x0], $0xffff  }
0xd0: {  	v24 =	vor.u32 v24, v32;
	v23 =	vperm.xlane v23, v8;
	v36 =	vmax.bf16 v26, v34  }
0xd1: {  	v24 =	vor.u32 v0, v24;
	v25 =	vsel vm9, v36, v26  }
0xd2: {  	v23 =	vmax.bf16 v25, v23  }
0xd3: {  	v23 =	vsel vm10, v23, v25  }
0xd4: {  	v23 =	vmax.bf16 v35, v23  }
0xd5: {  	[tilespmem:v63+s2+$0x0] =	vst.idx.msk vm3, v23  }
0xd6: {  	v24 =	vld.idx.msk [tilespmem:v24+s10+$0x0], $0xffff  }
0xd7: {  	s31 =	sadd.s32 $0xFFFFFFFC, s15;
	v37 =	vperm.xlane v22, v10;
	v23 =	vperm.xlane v22, v11  }
0xd8: {  	v40 =	vmov s31;
	v38 =	vperm.xlane v22, v12;
	v39 =	vperm.xlane v22, v13  }
0xd9: {  	v41 =	vor.u32 s31, v2;
	vm14 =	veq.s32 v37, v23;
	v23 =	vadd.s32 v9, v37  }
0xda: {  	v44 =	vand.u32 $0x7B, v41;
	vm10 =	veq.s32 v37, v39;
	vm3 =	veq.s32 v37, v38  }
0xdb: {  	vm15 =	vmand vm3, vm1;
	vm9 =	vmand vm14, vm0;
	v42 =	vperm.xlane v24, v4  }
0xdc: {  	v27 =	vshll.u32 v40, $0x3;
	vm11 =	vmand vm10, vm2;
	vm5 =	vmor vm9, vm15  }
0xdd: {  	vm5 =	vmor vm5, vm11;
	v43 =	vperm.xlane v24, v6;
	v45 =	vmax.bf16 v24, v42  }
0xde: {  	v27 =	vand.u32 $0x7C00, v27;
	vm12 =	vmneg vm5;
	v46 =	vld.idx.msk [tilespmem:v23+s11+$0x0], $0xffff;
	v28 =	vsel vm14, v45, v24  }
0xdf: {  	v26 =	vor.u32 v27, v44;
	v24 =	vperm.xlane v24, v8;
	v25 =	vmax.bf16 v28, v43  }
0xe0: {  	v26 =	vor.u32 v0, v26;
	v25 =	vsel vm3, v25, v28  }
0xe1: {  	v24 =	vmax.bf16 v25, v24  }
0xe2: {  	v24 =	vsel vm10, v24, v25  }
0xe3: {  	v24 =	vmax.bf16 v46, v24  }
0xe4: {  	[tilespmem:v23+s11+$0x0] =	vst.idx.msk vm12, v24  }
0xe5: {  	v47 =	vperm.xlane v22, v14;
	v23 =	vld.idx.msk [tilespmem:v26+s10+$0x0], $0xffff  }
0xe6: {  	v48 =	vperm.xlane v22, v15;
	v50 =	vperm.xlane v22, v16  }
0xe7: {  	v55 =	vor.u32 s15, v2;
	v49 =	vperm.xlane v22, v17  }
0xe8: {  	v51 =	vadd.s32 v9, v47;
	vm13 =	veq.s32 v47, v50;
	vm3 =	veq.s32 v47, v48  }
0xe9: {  	vm9 =	vmand vm13, vm1;
	vm14 =	veq.s32 v47, v49;
	vm15 =	vmand vm3, vm0  }
0xea: {  	vm6 =	vmor vm15, vm9;
	vm10 =	vmand vm14, vm2;
	v52 =	vperm.xlane v23, v4  }
0xeb: {  	v54 =	vmov s15;
	v27 =	vand.u32 $0x7F, v55;
	vm6 =	vmor vm6, vm10  }
0xec: {  	v26 =	vshll.u32 v54, $0x3;
	v53 =	vperm.xlane v23, v6;
	v24 =	vmax.bf16 v23, v52  }
0xed: {  	v56 =	vld.idx.msk [tilespmem:v51+s2+$0x0], $0xffff;
	v26 =	vand.u32 $0x7C00, v26;
	v24 =	vsel vm3, v24, v23;
	vm3 =	vmneg vm6  }
0xee: {  	v26 =	vor.u32 v26, v27;
	v23 =	vperm.xlane v23, v8;
	v25 =	vmax.bf16 v24, v53  }
0xef: {  	v57 =	vor.u32 v0, v26;
	v24 =	vsel vm13, v25, v24  }
0xf0: {  	v23 =	vmax.bf16 v24, v23  }
0xf1: {  	v23 =	vsel vm14, v23, v24  }
0xf2: {  	v23 =	vmax.bf16 v56, v23  }
0xf3: {  	[tilespmem:v51+s2+$0x0] =	vst.idx.msk vm3, v23  }
0xf4: {  	v23 =	vld.idx.msk [tilespmem:v57+s10+$0x0], $0xffff  }
0xf5: {  	v59 =	vperm.xlane v22, v21;
	v58 =	vperm.xlane v22, v18  }
0xf6: {  	v60 =	vperm.xlane v22, v19;
	v22 =	vperm.xlane v22, v20  }
0xf7: {  	v61 =	vadd.s32 v9, v58  }
0xf8: {  	vm11 =	veq.s32 v58, v22;
	vm12 =	veq.s32 v58, v59;
	vm3 =	veq.s32 v58, v60  }
0xf9: {  	vm14 =	vmand vm11, vm1;
	vm13 =	vmand vm3, vm0;
	v22 =	vperm.xlane v23, v4  }
0xfa: {  	vm15 =	vmand vm12, vm2;
	vm6 =	vmor vm13, vm14  }
0xfb: {  	vm6 =	vmor vm6, vm15;
	v62 =	vperm.xlane v23, v6;
	v22 =	vmax.bf16 v23, v22  }
0xfc: {  	s13 =	sadd.s32 $0x1, s13;
	v63 =	vld.idx.msk [tilespmem:v61+s11+$0x0], $0xffff;
	vm6 =	vmneg vm6;
	v22 =	vsel vm3, v22, v23  }
0xfd: {  	p0 =	sne.s32 s13, $0x64;
	v23 =	vperm.xlane v23, v8;
	v24 =	vmax.bf16 v22, v62  }
.Ltmp2:
0xfe: {  	v22 =	vsel vm11, v24, v22;
	(pc) =	sbr.rel @p0 .LBB2_4-.Ltmp2, $4  }
0xff: {  	v23 =	vmax.bf16 v22, v23  }
0x100: {  	v22 =	vsel vm12, v23, v22  }
0x101: {  	v22 =	vmax.bf16 v63, v22  }
0x102: {  	[tilespmem:v61+s11+$0x0] =	vst.idx.msk vm6, v22  }
0x103: {  	s13 =	simm.s32 $0x0  }
0x104: {  	v28 =	vld [tilespmem:s13+$0xA000]  }
0x105: {  	v33 =	vld [tilespmem:s13+$0xA010]  }
0x106: {  	v27 =	vld [tilespmem:s13+$0xA020]  }
0x107: {  	v26 =	vld [tilespmem:s13+$0xA030]  }
0x108: {  	v25 =	vld [tilespmem:s13+$0xA040]  }
0x109: {  	v24 =	vld [tilespmem:s13+$0xA050]  }
0x10a: {  	v23 =	vld [tilespmem:s13+$0xA060]  }
0x10b: {  	v22 =	vld [tilespmem:s13+$0xA070]  }
0x10c: {  	v29 =	vld [tilespmem:s13+$0x0]  }
0x10d: {  	v35 =	vld [tilespmem:s13+$0x10]  }
0x10e: {  	v32 =	vld [tilespmem:s13+$0x20]  }
0x10f: {  	v31 =	vld [tilespmem:s13+$0x30]  }
0x110: {  	v30 =	vld [tilespmem:s13+$0x40]  }
0x111: {  	v34 =	vmax.bf16 v29, v28;
	v29 =	vld [tilespmem:s13+$0x50]  }
0x112: {  	s14 =	simm.s32 $0x200;
	v33 =	vmax.bf16 v35, v33;
	v28 =	vld [tilespmem:s13+$0x60];
	vm3 =	veq.s32 v34, $0xFF80FF80  }
.LBB2_8:
0x113: {  	s15 =	sshra.s32 s14, $0x2;
	p0 =	sne.s32 s14, $0x27E00;
	v34 =	vsel vm3, $0x0, v34;
	vm3 =	veq.s32 v33, $0xFF80FF80;
	v27 =	vmax.bf16 v32, v27;
	v32 =	vld [tilespmem:s13+$0x70]  }
0x114: {  	v35 =	vld [tilespmem:s15+$0xA000];
	[tilespmem:s13+$0x0] =	vst v34;
	v33 =	vsel vm3, $0x0, v33;
	vm3 =	veq.s32 v27, $0xFF80FF80;
	v26 =	vmax.bf16 v31, v26  }
0x115: {  	v36 =	vld [tilespmem:s15+$0xA010];
	[tilespmem:s13+$0x10] =	vst v33;
	v31 =	vsel vm3, $0x0, v27;
	vm3 =	veq.s32 v26, $0xFF80FF80;
	v25 =	vmax.bf16 v30, v25  }
0x116: {  	v27 =	vld [tilespmem:s15+$0xA020];
	[tilespmem:s13+$0x20] =	vst v31;
	v30 =	vsel vm3, $0x0, v26;
	vm3 =	veq.s32 v25, $0xFF80FF80;
	v24 =	vmax.bf16 v29, v24  }
0x117: {  	v26 =	vld [tilespmem:s15+$0xA030];
	[tilespmem:s13+$0x30] =	vst v30;
	v29 =	vsel vm3, $0x0, v25;
	vm3 =	veq.s32 v24, $0xFF80FF80;
	v23 =	vmax.bf16 v28, v23  }
0x118: {  	v25 =	vld [tilespmem:s15+$0xA040];
	[tilespmem:s13+$0x40] =	vst v29;
	v28 =	vsel vm3, $0x0, v24;
	vm3 =	veq.s32 v23, $0xFF80FF80;
	v22 =	vmax.bf16 v32, v22  }
0x119: {  	v24 =	vld [tilespmem:s15+$0xA050];
	[tilespmem:s13+$0x50] =	vst v28;
	v28 =	vsel vm3, $0x0, v23;
	vm3 =	veq.s32 v22, $0xFF80FF80  }
0x11a: {  	v23 =	vld [tilespmem:s15+$0xA060];
	[tilespmem:s13+$0x60] =	vst v28;
	v28 =	vsel vm3, $0x0, v22  }
0x11b: {  	v22 =	vld [tilespmem:s15+$0xA070];
	[tilespmem:s13+$0x70] =	vst v28;
	s13 =	smov.u32 s15  }
0x11c: {  	v28 =	vld [tilespmem:s13+$0x0]  }
0x11d: {  	v33 =	vld [tilespmem:s13+$0x10]  }
.Ltmp3:
0x11e: {  	v32 =	vld [tilespmem:s13+$0x20];
	(pc) =	sbr.rel @p0 .LBB2_8-.Ltmp3, $4  }
0x11f: {  	v31 =	vld [tilespmem:s13+$0x30]  }
0x120: {  	v30 =	vld [tilespmem:s13+$0x40]  }
0x121: {  	v34 =	vmax.bf16 v28, v35;
	v29 =	vld [tilespmem:s13+$0x50]  }
0x122: {  	s14 =	sadd.s32 $0x200, s14;
	vm3 =	veq.s32 v34, $0xFF80FF80;
	v33 =	vmax.bf16 v33, v36;
	v28 =	vld [tilespmem:s13+$0x60]  }
0x123: {  	v34 =	vsel vm3, $0x0, v34;
	vm3 =	veq.s32 v33, $0xFF80FF80;
	v27 =	vmax.bf16 v32, v27;
	v63 =	vld [tilespmem:s13+$0x70]  }
0x124: {  	[tilespmem:s13+$0x0] =	vst v34;
	v33 =	vsel vm3, $0x0, v33;
	vm3 =	veq.s32 v27, $0xFF80FF80;
	v26 =	vmax.bf16 v31, v26  }
0x125: {  	[tilespmem:s13+$0x10] =	vst v33;
	v27 =	vsel vm3, $0x0, v27;
	vm3 =	veq.s32 v26, $0xFF80FF80;
	v25 =	vmax.bf16 v30, v25  }
0x126: {  	[tilespmem:s13+$0x20] =	vst v27;
	v26 =	vsel vm3, $0x0, v26;
	vm3 =	veq.s32 v25, $0xFF80FF80;
	v24 =	vmax.bf16 v29, v24  }
0x127: {  	[tilespmem:s13+$0x30] =	vst v26;
	v25 =	vsel vm3, $0x0, v25;
	vm3 =	veq.s32 v24, $0xFF80FF80;
	v23 =	vmax.bf16 v28, v23  }
0x128: {  	[tilespmem:s13+$0x40] =	vst v25;
	v24 =	vsel vm3, $0x0, v24;
	vm3 =	veq.s32 v23, $0xFF80FF80;
	v22 =	vmax.bf16 v63, v22  }
0x129: {  	s12 =	sadd.s32 $0x1, s12;
	[tilespmem:s13+$0x50] =	vst v24;
	v23 =	vsel vm3, $0x0, v23;
	vm3 =	veq.s32 v22, $0xFF80FF80  }
0x12a: {  	p0 =	sne.s32 s12, s7;
	[tilespmem:s13+$0x60] =	vst v23;
	v22 =	vsel vm3, $0x0, v22  }
.Ltmp4:
0x12b: {  	[tilespmem:s13+$0x70] =	vst v22;
	(pc) =	sbr.rel @p0 .LBB2_1-.Ltmp4, $4  }
0x12c: {  	[hbm4b:s8+s2] =	stream.linear.scatter [tilespmem:s2], [sflag:$0x1], $0xA000, $0x38;
	[tilespmem:$0x1B080] =	vst v63  }
0x12d: {  	_ =	swait.ge [sflag:s9], $0xA000  }
0x12e: {  	[sflag:s9] =	ssyncset.done $0x0  }
0x12f: {  	[sflag:s9] =	ssyncadd.s32 $0xFFFF6000  }
0x130: {  	_ =	sfence.sel $0x180000  }
0x131: {  	[bflag:$0x0] =	sbarrier.arrive $0xFFFF  }
0x132: {  	p0 =	sne.s32 s0, $0x0;
	_ =	strace $0x9000004A  }
0x133: {  	s0 =	sadd.s32 @!p0 $0x100000, s1;
	[bflag:$0x2] =	sbarrier.arrive $0xFFFF  }
0x134: {  	[sflag:s0] =	ssyncadd.tile.s32 @!p0 $0x1;
	_ =	shalt  }
.Lfunc_end2:
_tile_overlayer_lowered:
.L_overlay_start_2:
0x135: {  	(tag) =	ssettag $0x2  }
0x136: {  	s0 =	rddreg [dreg:$0x0];
	s2 =	stileid.u32  }
0x137: {  	s1 =	rddreg [dreg:$0x1];
	p0 =	sne.s32 s2, $0x0  }
0x138: {  	s3 =	rddreg [dreg:$0x2];
	[bflag:$0x3] =	sbarrier.arrive $0xFFFF;
	s2 =	simm.s32 @!p0 $0x1C01  }
0x139: {  	[timem:s3], [sflag:s2] =	dma.local @!p0 [hbm:s0], s1  }
0x13a: {  	s0 =	simm.s32 @!p0 $0x1  }
0x13b: {  	_ =	swait.ge @!p0 [sflag:s0], s1  }
0x13c: {  	s1 =	ssub.s32 @!p0 $0x0, s1;
	[sflag:s0] =	ssyncset.done @!p0 $0x0  }
0x13d: {  	[sflag:s0] =	ssyncadd.s32 @!p0 s1  }
0x13e: {  	[bflag:$0x3] =	sbarrier.arrive $0xFFFF  }
0x13f: {  	_ =	shalt  }

// kernel: sparse-core-data-format-call.cloned.1.call-start
scs
called_computation_lowered:
.L_overlay_start_0:
0x0: {  	s1 =	sld [smem:$0x3FD9]  }
0x1: {  	s2 =	sld [smem:$0x3FFE];
	_ =	sdelay $0x1  }
0x2: {  	s3 =	srdreg.scid  }
0x3: {  	s0 =	sand.u32 $0x1, s3  }
0x4: {  	s17 =	sshll.u32 s0, $0xA;
	s1 =	sadd.s32 s2, s1  }
0x5: {  	s1 =	sadd.s32 s1, s17  }
0x6: {  	[smem:$0x3FBB] =	sst s1  }
0x7: {  	_ = 	snop  }
0x8: {  	(tm) =	ssettm $0x1  }
0x9: {  	s18 =	sld [smem:$0x3FFB];
	_ =	sdelay $0x3  }
0xa: {  	_ =	strace s18  }
0xb: {  	s1 =	sld [smem:$0x3FFC];
	_ =	sdelay $0x3  }
0xc: {  	_ =	strace s1  }
0xd: {  	s1 =	sld [smem:$0x3FFD];
	_ =	sdelay $0x3  }
0xe: {  	_ =	strace s1  }
0xf: {  	_ =	strace $0x8FFFFFFF  }
0x10: {  	s19 =	sld [smem:$0x3FDB];
	_ =	sdelay $0x1  }
0x11: {  	s20 =	simm.s32 $_scs_section_size  }
0x12: {  	s4 =	simm.s32 $_size__tile_overlayer_lowered;
	s5 =	simm.s32 $_tile_overlayer_lowered  }
0x13: {  	s23 =	simm.s32 $0x1BFF;
	s22 =	sshll.u32 s5, $0x1;
	s1 =	sadd.s32 s20, s19  }
0x14: {  	s6 =	simm.s32 $0x0;
	s21 =	sshll.u32 s4, $0x1;
	s4 =	sadd.s32 s22, s1  }
0x15: {  	[timem:s6], [sflag:s23] =	dma.local [hbm:s4], s21  }
0x16: {  	_ =	swait.ge [sflag:s23], s21  }
0x17: {  	s2 =	ssub.s32 $0x0, s21;
	[sflag:s23] =	ssyncset.done $0x0  }
0x18: {  	[sflag:s23] =	ssyncadd.s32 s2;
	_ =	sdelay $0x1  }
0x19: {  	s24 =	simm.s32 $0x1B8B  }
0x1a: {  	_ =	swait.ge [sflag:s24], $0x1  }
0x1b: {  	[sflag:s24] =	ssyncset.done $0x0  }
0x1c: {  	s26 =	simm.s32 $0x1B8E;
	s25 =	sld [smem:$0x3FFE];
	[sflag:s24] =	ssyncadd.s32 $0xFFFFFFFF  }
0x1d: {  	s27 =	simm.s32 $execute0_lowered;
	[smem:$0x3FD2] =	sst s26  }
0x1e: {  	s4 =	sshll.u32 s27, $0x1;
	_ =	strace $0x80000046;
	[dreg:$0x1] =	wrdreg $0xFFFFFFFF  }
0x1f: {  	s28 =	simm.s32 $_size_execute0_lowered;
	s1 =	sadd.s32 s1, s4;
	[dreg:$0x0] =	wrdreg $0x0  }
0x20: {  	s4 =	sshll.u32 s28, $0x1;
	[dreg:$0x2] =	wrdreg s1  }
0x21: {  	[dreg:$0x3] =	wrdreg s4  }
0x22: {  	[dreg:$0x4] =	wrdreg $0xC0  }
0x23: {  	_ =	task [dreg:s6], $0x5FFFF  }
0x24: {  	[dreg:$0x1] =	wrdreg $0xFFFFFFFF  }
0x25: {  	[dreg:$0x0] =	wrdreg $0x60  }
0x26: {  	[dreg:$0x2] =	wrdreg s25  }
0x27: {  	[dreg:$0x3] =	wrdreg $0x9  }
0x28: {  	_ =	task.clear_ibuf [dreg:s6], $0x4FFFF;
	_ =	strace $0x90000046  }
0x29: {  	s29 =	simm.s32 $0x9;
	_ =	strace $0x80000048  }
0x2a: {  	_ =	swait.ge [sflag:s29], $0x1  }
0x2b: {  	[sflag:s29] =	ssyncadd.s32 $0xFFFFFFFF  }
0x2c: {  	_ =	strace $0x90000048  }
0x2d: {  	_ =	sfence  }
0x2e: {  	s30 =	sld [smem:$0x0];
	_ =	sdelay $0x2  }
0x2f: {  	s31 =	sshll.u32 s3, $0xD;
	s3 =	sshrl.u32 s3, $0x2  }
0x30: {  	s2 =	sand.u32 $0x4000, s31;
	s1 =	sadd.s32 s3, s30  }
0x31: {  	s0 =	sor.u32 s2, s0;
	s1 =	sshll.u32 s1, $0x11  }
0x32: {  	s0 =	sor.u32 s1, s0  }
0x33: {  	s0 =	sadd.s32 $0x8F2B, s0  }
0x34: {  	[sflag:s0] =	ssyncadd.remote.s32 $0x1  }
0x35: {  	_ =	sfence.sel $0xFFFF  }
0x36: {  	[dreg:$0x0] =	wrdreg $0xFFFFFFFF;
	(pc) =	sbr.abs _section_cstart, $3  }
0x37: {  	[dreg:$0x1] =	wrdreg $0xFFFFFFFF  }
0x38: {  	_ =	task.clear_ibuf [dreg:s6], $0x2FFFF;
	_ =	strace $0x9FFFFFFF  }
0x39: {  	(tm) =	ssettm $0x7FFFFFFF  }
tec
execute0_lowered:
.L_overlay_start_1:
0x0: {  	(tag) =	ssettag $0x1  }
0x1: {  	s0 =	srdreg.scid  }
0x2: {  	s1 =	sshll.u32 s0, $0x4  }
0x3: {  	s4 =	rddreg [dreg:$0x0];
	s0 =	stileid.u32;
	s1 =	sand.u32 $0x10, s1  }
0x4: {  	s7 =	simm.s32 $0x1;
	s8 =	simm.s32 $0x2;
	s1 =	sor.u32 s0, s1  }
0x5: {  	s11 =	simm.s32 $0x0;
	s10 =	simm.s32 $0x0;
	s2 =	sshll.u32 s1, $0x7  }
0x6: {  	s3 =	sadd.s32 $0x2800, s4;
	s4 =	sadd.s32 $0x4E4800, s4;
	s6 =	ssub.s32 $0x4E200, s2  }
.Ltmp0:
0x7: {  	s1 =	rddreg [dreg:$0x1];
	s5 =	sand.u32 $0xF80, s6;
	(pc) =	sbr.rel .LBB1_1-.Ltmp0, $4  }
0x8: {  	_ =	strace $0x80000047;
	s9 =	smov.u32 s2;
	p0 =	sne.s32 s5, $0x0  }
0x9: {  	s6 =	sshrl.u32 s6, $0xC;
	s5 =	simm.s32 $0x1;
	s7 =	simm.s32 @!p0 $0x0  }
0xa: {  	[sflag:s5] =	ssyncpa.u1 $0x0;
	p0 =	por $0x0, $0x0;
	s6 =	sadd.s32 s7, s6  }
0xb: {  	[sflag:s8] =	ssyncpa.u1 $0x0;
	s8 =	simm.s32 $0x271000;
	s7 =	sadd.s32 $0x1, s6  }
.LBB1_4:
0xc: {  	v5 =	vld [tilespmem:s15+$0xFFFFFFD0];
	[tilespmem:s14+$0x2040 ss:$0x81] =	vst.msk $0xffff, v3;
	s17 =	sshll.u32 s11, $0x3  }
0xd: {  	v58 =	vld [tilespmem:s15+$0xFFFFFFE0];
	[tilespmem:s14+$0x2850 ss:$0x81] =	vst.msk $0xffff, v4;
	s25 =	sand.u32 $0x7F, s11;
	s17 =	sand.u32 $0xFFFFFC00, s17  }
0xe: {  	s16 =	sshra.s32 s16, $0x2;
	v59 =	vld [tilespmem:s15+$0xFFFFFFF0];
	[tilespmem:s14+$0x3060 ss:$0x81] =	vst.msk $0xffff, v2;
	s11 =	sor.u32 s25, s17  }
0xf: {  	v60 =	vld [tilespmem:s15+$0x0];
	[tilespmem:s14+$0x0 ss:$0x81] =	vst.msk $0xffff, v0;
	s13 =	sadd.s32 s16, s13;
	s26 =	smulhi.u32 $0xD1B71759, s11  }
0x10: {  	v61 =	vld [tilespmem:s15+$0x10];
	[tilespmem:s13+$0x3870 ss:$0x81] =	vst.msk $0xffff, v1  }
0x11: {  	v62 =	vld [tilespmem:s15+$0x20];
	s27 =	smulhi.u32 $0xD1B71759, s17;
	[tilespmem:s13+$0x810 ss:$0x81] =	vst.msk $0xffff, v5;
	s14 =	sshrl.u32 s26, $0x12  }
0x12: {  	v63 =	vld [tilespmem:s15+$0xFFFFFFC0];
	[tilespmem:s13+$0x1020 ss:$0x81] =	vst.msk $0xffff, v58;
	s14 =	smul.u32 $0x4E200, s14  }
0x13: {  	s28 =	sshrl.u32 s27, $0x12;
	[tilespmem:s13+$0x1830 ss:$0x81] =	vst.msk $0xffff, v59  }
0x14: {  	[tilespmem:s13+$0x2040 ss:$0x81] =	vst.msk $0xffff, v60;
	s29 =	sand.u32 $0x7F, s28;
	s11 =	ssub.s32 s11, s14  }
0x15: {  	[tilespmem:s13+$0x2850 ss:$0x81] =	vst.msk $0xffff, v61;
	s14 =	smul.u32 $0x9C40, s29;
	s30 =	sshrl.u32 s11, $0x3;
	s11 =	sand.u32 $0x7, s11  }
0x16: {  	[tilespmem:s13+$0x3060 ss:$0x81] =	vst.msk $0xffff, v62;
	s15 =	sadd.s32 s4, s30;
	s11 =	sshll.u32 s11, $0x12  }
0x17: {  	[tilespmem:s13+$0x0 ss:$0x81] =	vst.msk $0xffff, v63;
	s31 =	sadd.s32 s14, s15;
	s11 =	sor.u32 $0x400, s11  }
0x18: {  	[hbm4b:s31+s11] =	stream.strided.scatter [tilespmem:s12], [sflag:$0x2], $0x4000, s8, s11, $0x20;
	[tilespmem:$0x10100] =	vst v63  }
.LBB1_5:
0x19: {  	s13 =	sadd.s32 $0x1000, s9  }
0x1a: {  	p2 =	sgt.s32 s13, $0x4E1FF  }
0x1b: {  	s13 =	smov.u32 @p2 s2;
	p2 =	sne.s32 s10, s7  }
.Ltmp1:
0x1c: {  	p1 =	slt.u32 s10, $0x2;
	(pc) =	sbr.rel @!p2 .LBB1_6-.Ltmp1, $4  }
0x1d: {  	s12 =	simm.s32 @!p1 $0x2  }
0x1e: {  	s14 =	sadd.s32 $0x1, s10;
	_ =	swait.ge @!p1 [sflag:s12], $0x4000  }
0x1f: {  	s11 =	smov.u32 s9;
	p0 =	por !p0, !p0;
	[sflag:s12] =	ssyncset.done @!p1 $0x0  }
0x20: {  	s10 =	smov.u32 s14;
	s9 =	smov.u32 s13;
	[sflag:s12] =	ssyncadd.s32 @!p1 $0xFFFFC000  }
.LBB1_1:
0x21: {  	p1 =	sge.u32 s10, s6  }
0x22: {  	s12 =	sand.u32 @!p1 $0x1FFFFFF, s9  }
0x23: {  	s13 =	smulhi.u32 @!p1 $0x1A36E2F, s12;
	_ =	sdelay $0x1  }
0x24: {  	s13 =	sshrl.u32 @!p1 s13, $0xB  }
0x25: {  	s13 =	smul.u32 @!p1 $0x4E200, s13;
	_ =	sdelay $0x1  }
0x26: {  	s14 =	sxor.u32 @!p1 $0xFFFFFFFF, s10;
	s12 =	ssub.s32 @!p1 s12, s13  }
0x27: {  	s31 =	sadd.s32 $0xFFFFFFFF, s10;
	s13 =	sshll.u32 @!p1 s14, $0xE;
	s12 =	sshll.u32 @!p1 s12, $0x4  }
0x28: {  	s14 =	simm.s32 @!p1 $0x0;
	s13 =	sand.u32 @!p1 $0x4000, s13;
	s12 =	sadd.s32 @!p1 s3, s12  }
0x29: {  	[tilespmem:s13], [sflag:$0x1] =	stream.linear.gather @!p1 [hbm4b:s12+s14], $0x4000, $0x38;
	[tilespmem:$0x10100] =	vst v63  }
0x2a: {  	p1 =	sge.u32 s31, s6  }
.Ltmp2:
0x2b: {  	_ = 	snop;
	(pc) =	sbr.rel @p1 .LBB1_5-.Ltmp2, $1  }
0x2c: {  	_ =	sdelay $0x3  }
0x2d: {  	s12 =	simm.s32 $0x1  }
0x2e: {  	_ =	swait.ge [sflag:s5], $0x4000;
	s12 =	simm.s32 @!p0 $0x0  }
0x2f: {  	[sflag:s5] =	ssyncset.done $0x0;
	s13 =	sshll.u32 s12, $0xE  }
0x30: {  	[sflag:s5] =	ssyncadd.s32 $0xFFFFC000;
	s15 =	sor.u32 $0x40, s13  }
0x31: {  	s12 =	smul.u32 $0x10200, s12;
	v0 =	vld [tilespmem:s15+$0x30]  }
0x32: {  	v1 =	vld [tilespmem:s15+$0xFFFFFFD0]  }
0x33: {  	s12 =	sshrl.u32 s12, $0x2;
	v5 =	vld [tilespmem:s15+$0xFFFFFFE0]  }
0x34: {  	v6 =	vld [tilespmem:s15+$0xFFFFFFF0];
	s13 =	sor.u32 $0x8000, s12  }
0x35: {  	s31 =	sand.u32 $0x1, s10;
	v3 =	vld [tilespmem:s15+$0x0];
	s14 =	sadd.s32 $0x0, s13  }
0x36: {  	v4 =	vld [tilespmem:s15+$0x10];
	s12 =	smul.u32 $0x10200, s31;
	[tilespmem:s14+$0x3870 ss:$0x81] =	vst.msk $0xffff, v0  }
0x37: {  	v2 =	vld [tilespmem:s15+$0x20];
	[tilespmem:s14+$0x810 ss:$0x81] =	vst.msk $0xffff, v1  }
0x38: {  	s12 =	sshrl.u32 s12, $0x2;
	v0 =	vld [tilespmem:s15+$0xFFFFFFC0];
	[tilespmem:s14+$0x1020 ss:$0x81] =	vst.msk $0xffff, v5;
	s15 =	sadd.s32 $0x80, s15  }
0x39: {  	s16 =	simm.s32 $0x4;
	s17 =	simm.s32 $0x8;
	s12 =	sor.u32 $0x8000, s12;
	[tilespmem:s14+$0x1830 ss:$0x81] =	vst.msk $0xffff, v6;
	v1 =	vld [tilespmem:s15+$0x30]  }
.LBB1_3:
0x3a: {  	p1 =	sne.s32 s17, $0x1FC;
	v5 =	vld [tilespmem:s15+$0xFFFFFFD0];
	[tilespmem:s14+$0x2040 ss:$0x81] =	vst.msk $0xffff, v3  }
0x3b: {  	v6 =	vld [tilespmem:s15+$0xFFFFFFE0];
	[tilespmem:s14+$0x2850 ss:$0x81] =	vst.msk $0xffff, v4  }
0x3c: {  	s18 =	sshra.s32 s16, $0x2;
	s16 =	smov.u32 s17;
	v7 =	vld [tilespmem:s15+$0xFFFFFFF0];
	[tilespmem:s14+$0x3060 ss:$0x81] =	vst.msk $0xffff, v2  }
.Ltmp3:
0x3d: {  	v3 =	vld [tilespmem:s15+$0x0];
	[tilespmem:s14+$0x0 ss:$0x81] =	vst.msk $0xffff, v0;
	s14 =	sadd.s32 s18, s13;
	(pc) =	sbr.rel @p1 .LBB1_3-.Ltmp3, $4  }
0x3e: {  	v4 =	vld [tilespmem:s15+$0x10];
	[tilespmem:s14+$0x3870 ss:$0x81] =	vst.msk $0xffff, v1  }
0x3f: {  	[tilespmem:s14+$0x810 ss:$0x81] =	vst.msk $0xffff, v5;
	v2 =	vld [tilespmem:s15+$0x20]  }
0x40: {  	v0 =	vld [tilespmem:s15+$0xFFFFFFC0];
	[tilespmem:s14+$0x1020 ss:$0x81] =	vst.msk $0xffff, v6;
	s15 =	sadd.s32 $0x80, s15  }
0x41: {  	s17 =	sadd.s32 $0x4, s17;
	v1 =	vld [tilespmem:s15+$0x30];
	[tilespmem:s14+$0x1830 ss:$0x81] =	vst.msk $0xffff, v7  }
.Ltmp4:
0x42: {  	_ = 	snop;
	(pc) =	sbr.rel .LBB1_4-.Ltmp4, $1  }
0x43: {  	_ =	sdelay $0x3  }
.LBB1_6:
0x44: {  	_ =	sfence.sel $0x180000  }
0x45: {  	s2 =	simm.s32 $0x1;
	[bflag:$0x0] =	sbarrier.arrive $0xFFFF  }
0x46: {  	s31 =	simm.s32 $0x2;
	[sflag:s2] =	ssyncpa.u1 $0x1  }
0x47: {  	[sflag:s31] =	ssyncpa.u1 $0x1  }
0x48: {  	p0 =	sne.s32 s0, $0x0;
	_ =	strace $0x90000047  }
0x49: {  	s0 =	sadd.s32 @!p0 $0x100000, s1;
	[bflag:$0x2] =	sbarrier.arrive $0xFFFF  }
0x4a: {  	[sflag:s0] =	ssyncadd.tile.s32 @!p0 $0x1;
	_ =	shalt  }
.Lfunc_end1:
_tile_overlayer_lowered:
.L_overlay_start_2:
0x4b: {  	(tag) =	ssettag $0x2  }
0x4c: {  	s0 =	rddreg [dreg:$0x0];
	s2 =	stileid.u32  }
0x4d: {  	s1 =	rddreg [dreg:$0x1];
	p0 =	sne.s32 s2, $0x0  }
0x4e: {  	s3 =	rddreg [dreg:$0x2];
	[bflag:$0x3] =	sbarrier.arrive $0xFFFF;
	s2 =	simm.s32 @!p0 $0x1C01  }
0x4f: {  	[timem:s3], [sflag:s2] =	dma.local @!p0 [hbm:s0], s1  }
0x50: {  	s0 =	simm.s32 @!p0 $0x1  }
0x51: {  	_ =	swait.ge @!p0 [sflag:s0], s1  }
0x52: {  	s1 =	ssub.s32 @!p0 $0x0, s1;
	[sflag:s0] =	ssyncset.done @!p0 $0x0  }
0x53: {  	[sflag:s0] =	ssyncadd.s32 @!p0 s1  }
0x54: {  	[bflag:$0x3] =	sbarrier.arrive $0xFFFF  }
0x55: {  	_ =	shalt  }

</sc_bundles>
